<compile_context>
chip_gen: v7x
topology: tpu7x:2x2x1
jax: 0.10.2.dev20260603
libtpu: 0.0.44.dev20260713+nightly
codegen_flags: <defaults>
</compile_context>

<pallas_src>
import functools

import jax
import jax.numpy as jnp
from jax import lax
from jax.experimental import pallas as pl
from jax.experimental.pallas import tpu as pltpu
from jax.experimental.pallas import tpu_sc as plsc




def _proj_body(emb_ref, w_ref, b_ref, out_ref):
    out_ref[...] = lax.dot_general(
        emb_ref[...], w_ref[...],
        dimension_numbers=(((1,), (1,)), ((), ())),
        preferred_element_type=jnp.float32,
    ) + b_ref[...]


def _project(emb, w, b_vec):
    v, o = emb.shape[0], w.shape[0]
    return pl.pallas_call(
        _proj_body,
        out_shape=jax.ShapeDtypeStruct((v, o), jnp.float32),
    )(emb, w, b_vec.reshape(1, o))




@functools.lru_cache(maxsize=None)
def _make_gather(D, B):
    info = plsc.get_sparse_core_info()
    nc, ns = info.num_cores, info.num_subcores
    nw = nc * ns
    b_per_w = B // nw
    ch = 64
    nbuf = 3
    n_chunks = b_per_w // ch
    assert n_chunks * ch == b_per_w and ch % 8 == 0
    assert (n_chunks - 4) % nbuf == 0
    mesh = plsc.VectorSubcoreMesh(core_axis_name="c", subcore_axis_name="s")

    @functools.partial(
        pl.kernel,
        mesh=mesh,
        out_type=jax.ShapeDtypeStruct((B, D), jnp.float32),
        scratch_types=[
            pltpu.VMEM((b_per_w,), jnp.int32)]
            + [pltpu.VMEM((ch, D), jnp.float32)] * nbuf
            + [pltpu.SemaphoreType.DMA] * (2 * nbuf),
    )
    def gather(table_hbm, idx_hbm, out_hbm, idx_v, *bufs_sems):
        bufs = bufs_sems[:nbuf]
        gsems = bufs_sems[nbuf:2 * nbuf]
        wsems = bufs_sems[2 * nbuf:]
        wid = lax.axis_index("s") * nc + lax.axis_index("c")
        base = wid * b_per_w

        def gstart(i, p):
            pltpu.make_async_copy(
                table_hbm.at[idx_v.at[pl.ds(i * ch, ch)]], bufs[p],
                gsems[p]).start()

        def gwait(p):
            pltpu.make_async_copy(
                table_hbm.at[idx_v.at[pl.ds(0, ch)]], bufs[p], gsems[p]).wait()

        def wstart(i, p):
            off = pl.multiple_of(base + i * ch, 8)
            pltpu.make_async_copy(
                bufs[p], out_hbm.at[pl.ds(off, ch)], wsems[p]).start()

        def wwait(p):
            pltpu.make_async_copy(
                bufs[p], out_hbm.at[pl.ds(base, ch)], wsems[p]).wait()

        def step(i, p, first=False, last=False):
            gwait(p)
            wstart(i, p)
            if not last:
                q = (p + 2) % nbuf
                if not first:
                    wwait(q)
                gstart(i + 2, q)

        pltpu.sync_copy(idx_hbm.at[pl.ds(base, b_per_w)], idx_v)

        gstart(0, 0)
        gstart(1, 1)
        step(0, 0, first=True)
        step(1, 1)

        def body(j, carry):
            i = nbuf * j + 2
            step(i, 2)
            step(i + 1, 0)
            step(i + 2, 1)
            return carry

        lax.fori_loop(0, (n_chunks - 4) // nbuf, body, 0)

        step(n_chunks - 2, (n_chunks - 2) % nbuf, last=True)
        step(n_chunks - 1, (n_chunks - 1) % nbuf, last=True)
        for k in (3, 2, 1):
            wwait((n_chunks - k) % nbuf)

    return gather


def kernel(input_ids, emb_table, W, b):
    bsz, seq = input_ids.shape
    o = W.shape[0]
    projected = _project(emb_table, W, b)
    idx = input_ids.reshape(-1).astype(jnp.int32)
    out = _make_gather(o, bsz * seq)(projected, idx)
    return out.reshape(bsz, seq, o)

# --- scband reference (transcript-rebuilt; emitter-appended) ---
"""Pipeline reference for scband-mock-model-45148696216914 (READ-ONLY COPY).

The authoritative reference and input builder live on the scoring server;
editing this copy changes nothing except your own understanding.
"""

import jax, jax.numpy as jnp
import numpy as np


def setup_inputs(seed: int = 0) -> dict:
    key = jax.random.key(seed)
    k_idx, k_emb, k_w, k_b = jax.random.split(key, 4)
    input_ids = jax.random.randint(k_idx, (4096, 200), 0, 1000, dtype=jnp.int64 if jax.config.jax_enable_x64 else jnp.int32)
    # learned params sized per module: Embedding(1000, 256), Linear(256, 512)
    emb_table = jax.random.normal(k_emb, (1000, 256), dtype=jnp.float32)
    W = jax.random.normal(k_w, (512, 256), dtype=jnp.float32) * (1.0 / np.sqrt(256.0))
    b = jax.random.normal(k_b, (512,), dtype=jnp.float32) * 0.01
    return {"input_ids": input_ids, "emb_table": emb_table, "W": W, "b": b}


def reference(input_ids, emb_table, W, b):
    # embedding lookup: gather rows of the table
    embeddings = jnp.take(emb_table, input_ids, axis=0)  # [B, L, 256]
    # linear: x @ W^T + b (torch nn.Linear convention)
    output = jnp.einsum('bld,od->blo', embeddings, W) + b  # [B, L, 512]
    return output

if __name__ == "__main__":
    import jax
    _d = setup_inputs()
    print(jax.jit(kernel)(*tuple(_d.values())))

</pallas_src>

<mosaic_0001>
#map = affine_map<(d0, d1) -> (0, 0)>
#map1 = affine_map<(d0, d1) -> (0)>
module attributes {stable_mosaic.version = 14 : i64} {
  func.func @gather(%arg0: i32, %arg1: i32, %arg2: memref<1000x512xf32, #tpu.memory_space<hbm>>, %arg3: memref<819200xi32, #tpu.memory_space<hbm>>, %arg4: memref<819200x512xf32, #tpu.memory_space<hbm>>, %arg5: memref<25600xi32, #tpu.memory_space<vmem>>, %arg6: memref<64x512xf32, #tpu.memory_space<vmem>>, %arg7: memref<64x512xf32, #tpu.memory_space<vmem>>, %arg8: memref<64x512xf32, #tpu.memory_space<vmem>>, %arg9: memref<!tpu.dma_semaphore, #tpu.memory_space<semaphore_mem>>, %arg10: memref<!tpu.dma_semaphore, #tpu.memory_space<semaphore_mem>>, %arg11: memref<!tpu.dma_semaphore, #tpu.memory_space<semaphore_mem>>, %arg12: memref<!tpu.dma_semaphore, #tpu.memory_space<semaphore_mem>>, %arg13: memref<!tpu.dma_semaphore, #tpu.memory_space<semaphore_mem>>, %arg14: memref<!tpu.dma_semaphore, #tpu.memory_space<semaphore_mem>>) attributes {dimension_semantics = [#tpu.dimension_semantics<core_parallel>, #tpu.dimension_semantics<subcore_parallel>], iteration_bounds = array<i64: 2, 16>, scalar_prefetch = 0 : i64, scratch_operands = 10 : i64, tpu.core_type = #tpu.core_type<sc_vector_subcore>, window_params = [{transform_indices = #map}, {transform_indices = #map1}, {transform_indices = #map}]} {
    %mul3A = arith.constant 2 : i32
    %mul3A_0 = arith.muli %arg1, %mul3A : i32
    %add3A = arith.addi %mul3A_0, %arg0 : i32
    %mul3A_1 = arith.constant 25600 : i32
    %mul3A_2 = arith.muli %add3A, %mul3A_1 : i32
    "tpu.region"() ({
      %run_scoped3A = tpu.sem_alloc : memref<!tpu.dma_semaphore, #tpu.memory_space<semaphore_mem>>
      %dma_start3A_89 = tpu.memref_slice %arg3[%mul3A_2] : memref<819200xi32, #tpu.memory_space<hbm>> -> memref<25600xi32, #tpu.memory_space<hbm>>
      %dma_start3A_90 = tpu.memref_slice %arg3[%mul3A_2] : memref<819200xi32, #tpu.memory_space<hbm>> -> memref<25600xi32, #tpu.memory_space<hbm>>
      tpu.enqueue_dma source(%dma_start3A_90 : memref<25600xi32, #tpu.memory_space<hbm>>) target(%arg5 : memref<25600xi32, #tpu.memory_space<vmem>>) target_semaphore(%run_scoped3A : memref<!tpu.dma_semaphore, #tpu.memory_space<semaphore_mem>>)
      %dma_wait3A_91 = tpu.memref_slice %arg3[%mul3A_2] : memref<819200xi32, #tpu.memory_space<hbm>> -> memref<25600xi32, #tpu.memory_space<hbm>>
      %dma_wait3A_92 = tpu.memref_slice %arg3[%mul3A_2] : memref<819200xi32, #tpu.memory_space<hbm>> -> memref<25600xi32, #tpu.memory_space<hbm>>
      tpu.wait_dma2 semaphore(%run_scoped3A : memref<!tpu.dma_semaphore, #tpu.memory_space<semaphore_mem>>) src(%dma_wait3A_92 : memref<25600xi32, #tpu.memory_space<hbm>>) dst(%arg5 : memref<25600xi32, #tpu.memory_space<vmem>>)
      tpu.yield
    }) : () -> ()
    %dma_start3A = arith.constant 0 : i32
    %dma_start3A_3 = tpu.memref_slice %arg5[%dma_start3A] : memref<25600xi32, #tpu.memory_space<vmem>> -> memref<64xi32, #tpu.memory_space<vmem>>
    %dma_start3A_4 = arith.constant 0 : i32
    %dma_start3A_5 = arith.constant 0 : i32
    %dma_start3A_6 = tpu.memref_slice %arg2[%dma_start3A_4, %dma_start3A_5] : memref<1000x512xf32, #tpu.memory_space<hbm>> -> memref<1000x512xf32, #tpu.memory_space<hbm>>
    tpu.enqueue_indirect_dma source(%dma_start3A_6 : memref<1000x512xf32, #tpu.memory_space<hbm>>) target(%arg6 : memref<64x512xf32, #tpu.memory_space<vmem>>) offsets(%dma_start3A_3 : memref<64xi32, #tpu.memory_space<vmem>>) semaphore(%arg9 : memref<!tpu.dma_semaphore, #tpu.memory_space<semaphore_mem>>)
    %dma_start3A_7 = arith.constant 64 : i32
    %dma_start3A_8 = tpu.memref_slice %arg5[%dma_start3A_7] : memref<25600xi32, #tpu.memory_space<vmem>> -> memref<64xi32, #tpu.memory_space<vmem>>
    %dma_start3A_9 = arith.constant 0 : i32
    %dma_start3A_10 = arith.constant 0 : i32
    %dma_start3A_11 = tpu.memref_slice %arg2[%dma_start3A_9, %dma_start3A_10] : memref<1000x512xf32, #tpu.memory_space<hbm>> -> memref<1000x512xf32, #tpu.memory_space<hbm>>
    tpu.enqueue_indirect_dma source(%dma_start3A_11 : memref<1000x512xf32, #tpu.memory_space<hbm>>) target(%arg7 : memref<64x512xf32, #tpu.memory_space<vmem>>) offsets(%dma_start3A_8 : memref<64xi32, #tpu.memory_space<vmem>>) semaphore(%arg10 : memref<!tpu.dma_semaphore, #tpu.memory_space<semaphore_mem>>)
    %dma_wait3A = arith.constant 0 : i32
    %dma_wait3A_12 = tpu.memref_slice %arg5[%dma_wait3A] : memref<25600xi32, #tpu.memory_space<vmem>> -> memref<64xi32, #tpu.memory_space<vmem>>
    %dma_wait3A_13 = arith.constant 0 : i32
    %dma_wait3A_14 = arith.constant 0 : i32
    %dma_wait3A_15 = tpu.memref_slice %arg2[%dma_wait3A_13, %dma_wait3A_14] : memref<1000x512xf32, #tpu.memory_space<hbm>> -> memref<1000x512xf32, #tpu.memory_space<hbm>>
    tpu.wait_indirect_dma semaphore(%arg9 : memref<!tpu.dma_semaphore, #tpu.memory_space<semaphore_mem>>) src(%dma_wait3A_15 : memref<1000x512xf32, #tpu.memory_space<hbm>>) dst(%arg6 : memref<64x512xf32, #tpu.memory_space<vmem>>)
    %add3A_16 = arith.constant 0 : i32
    %add3A_17 = arith.addi %mul3A_2, %add3A_16 : i32
    %multiple_of3A = tpu.assume_multiple %add3A_17, 8 : i32
    %dma_start3A_18 = arith.constant 0 : i32
    %dma_start3A_19 = tpu.memref_slice %arg4[%multiple_of3A, %dma_start3A_18] : memref<819200x512xf32, #tpu.memory_space<hbm>> -> memref<64x512xf32, #tpu.memory_space<hbm>>
    %dma_start3A_20 = arith.constant 0 : i32
    %dma_start3A_21 = tpu.memref_slice %arg4[%multiple_of3A, %dma_start3A_20] : memref<819200x512xf32, #tpu.memory_space<hbm>> -> memref<64x512xf32, #tpu.memory_space<hbm>>
    tpu.enqueue_dma source(%arg6 : memref<64x512xf32, #tpu.memory_space<vmem>>) target(%dma_start3A_21 : memref<64x512xf32, #tpu.memory_space<hbm>>) target_semaphore(%arg12 : memref<!tpu.dma_semaphore, #tpu.memory_space<semaphore_mem>>)
    %dma_start3A_22 = arith.constant 128 : i32
    %dma_start3A_23 = tpu.memref_slice %arg5[%dma_start3A_22] : memref<25600xi32, #tpu.memory_space<vmem>> -> memref<64xi32, #tpu.memory_space<vmem>>
    %dma_start3A_24 = arith.constant 0 : i32
    %dma_start3A_25 = arith.constant 0 : i32
    %dma_start3A_26 = tpu.memref_slice %arg2[%dma_start3A_24, %dma_start3A_25] : memref<1000x512xf32, #tpu.memory_space<hbm>> -> memref<1000x512xf32, #tpu.memory_space<hbm>>
    tpu.enqueue_indirect_dma source(%dma_start3A_26 : memref<1000x512xf32, #tpu.memory_space<hbm>>) target(%arg8 : memref<64x512xf32, #tpu.memory_space<vmem>>) offsets(%dma_start3A_23 : memref<64xi32, #tpu.memory_space<vmem>>) semaphore(%arg11 : memref<!tpu.dma_semaphore, #tpu.memory_space<semaphore_mem>>)
    %dma_wait3A_27 = arith.constant 0 : i32
    %dma_wait3A_28 = tpu.memref_slice %arg5[%dma_wait3A_27] : memref<25600xi32, #tpu.memory_space<vmem>> -> memref<64xi32, #tpu.memory_space<vmem>>
    %dma_wait3A_29 = arith.constant 0 : i32
    %dma_wait3A_30 = arith.constant 0 : i32
    %dma_wait3A_31 = tpu.memref_slice %arg2[%dma_wait3A_29, %dma_wait3A_30] : memref<1000x512xf32, #tpu.memory_space<hbm>> -> memref<1000x512xf32, #tpu.memory_space<hbm>>
    tpu.wait_indirect_dma semaphore(%arg10 : memref<!tpu.dma_semaphore, #tpu.memory_space<semaphore_mem>>) src(%dma_wait3A_31 : memref<1000x512xf32, #tpu.memory_space<hbm>>) dst(%arg7 : memref<64x512xf32, #tpu.memory_space<vmem>>)
    %add3A_32 = arith.constant 64 : i32
    %add3A_33 = arith.addi %mul3A_2, %add3A_32 : i32
    %multiple_of3A_34 = tpu.assume_multiple %add3A_33, 8 : i32
    %dma_start3A_35 = arith.constant 0 : i32
    %dma_start3A_36 = tpu.memref_slice %arg4[%multiple_of3A_34, %dma_start3A_35] : memref<819200x512xf32, #tpu.memory_space<hbm>> -> memref<64x512xf32, #tpu.memory_space<hbm>>
    %dma_start3A_37 = arith.constant 0 : i32
    %dma_start3A_38 = tpu.memref_slice %arg4[%multiple_of3A_34, %dma_start3A_37] : memref<819200x512xf32, #tpu.memory_space<hbm>> -> memref<64x512xf32, #tpu.memory_space<hbm>>
    tpu.enqueue_dma source(%arg7 : memref<64x512xf32, #tpu.memory_space<vmem>>) target(%dma_start3A_38 : memref<64x512xf32, #tpu.memory_space<hbm>>) target_semaphore(%arg13 : memref<!tpu.dma_semaphore, #tpu.memory_space<semaphore_mem>>)
    %dma_wait3A_39 = arith.constant 0 : i32
    %dma_wait3A_40 = tpu.memref_slice %arg4[%mul3A_2, %dma_wait3A_39] : memref<819200x512xf32, #tpu.memory_space<hbm>> -> memref<64x512xf32, #tpu.memory_space<hbm>>
    %dma_wait3A_41 = arith.constant 0 : i32
    %dma_wait3A_42 = tpu.memref_slice %arg4[%mul3A_2, %dma_wait3A_41] : memref<819200x512xf32, #tpu.memory_space<hbm>> -> memref<64x512xf32, #tpu.memory_space<hbm>>
    tpu.wait_dma2 semaphore(%arg12 : memref<!tpu.dma_semaphore, #tpu.memory_space<semaphore_mem>>) src(%arg6 : memref<64x512xf32, #tpu.memory_space<vmem>>) dst(%dma_wait3A_42 : memref<64x512xf32, #tpu.memory_space<hbm>>)
    %dma_start3A_43 = arith.constant 192 : i32
    %dma_start3A_44 = tpu.memref_slice %arg5[%dma_start3A_43] : memref<25600xi32, #tpu.memory_space<vmem>> -> memref<64xi32, #tpu.memory_space<vmem>>
    %dma_start3A_45 = arith.constant 0 : i32
    %dma_start3A_46 = arith.constant 0 : i32
    %dma_start3A_47 = tpu.memref_slice %arg2[%dma_start3A_45, %dma_start3A_46] : memref<1000x512xf32, #tpu.memory_space<hbm>> -> memref<1000x512xf32, #tpu.memory_space<hbm>>
    tpu.enqueue_indirect_dma source(%dma_start3A_47 : memref<1000x512xf32, #tpu.memory_space<hbm>>) target(%arg6 : memref<64x512xf32, #tpu.memory_space<vmem>>) offsets(%dma_start3A_44 : memref<64xi32, #tpu.memory_space<vmem>>) semaphore(%arg9 : memref<!tpu.dma_semaphore, #tpu.memory_space<semaphore_mem>>)
    %scan3A = arith.constant 0 : i32
    %scan3A_48 = arith.constant 0 : i32
    %scan3A_49 = arith.constant 132 : i32
    %scan3A_50 = arith.addi %scan3A_48, %scan3A_49 : i32
    %scan3A_51 = arith.constant 1 : i32
    scf.for %scan3A_89 = %scan3A_48 to %scan3A_50 step %scan3A_51  : i32 {
      %mul3A_90 = arith.constant 3 : i32
      %mul3A_91 = arith.muli %mul3A_90, %scan3A_89 : i32
      %add3A_92 = arith.constant 2 : i32
      %add3A_93 = arith.addi %mul3A_91, %add3A_92 : i32
      %dma_wait3A_94 = arith.constant 0 : i32
      %dma_wait3A_95 = tpu.memref_slice %arg5[%dma_wait3A_94] : memref<25600xi32, #tpu.memory_space<vmem>> -> memref<64xi32, #tpu.memory_space<vmem>>
      %dma_wait3A_96 = arith.constant 0 : i32
      %dma_wait3A_97 = arith.constant 0 : i32
      %dma_wait3A_98 = tpu.memref_slice %arg2[%dma_wait3A_96, %dma_wait3A_97] : memref<1000x512xf32, #tpu.memory_space<hbm>> -> memref<1000x512xf32, #tpu.memory_space<hbm>>
      tpu.wait_indirect_dma semaphore(%arg11 : memref<!tpu.dma_semaphore, #tpu.memory_space<semaphore_mem>>) src(%dma_wait3A_98 : memref<1000x512xf32, #tpu.memory_space<hbm>>) dst(%arg8 : memref<64x512xf32, #tpu.memory_space<vmem>>)
      %mul3A_99 = arith.constant 64 : i32
      %mul3A_100 = arith.muli %add3A_93, %mul3A_99 : i32
      %add3A_101 = arith.addi %mul3A_2, %mul3A_100 : i32
      %multiple_of3A_102 = tpu.assume_multiple %add3A_101, 8 : i32
      %dma_start3A_103 = arith.constant 0 : i32
      %dma_start3A_104 = tpu.memref_slice %arg4[%multiple_of3A_102, %dma_start3A_103] : memref<819200x512xf32, #tpu.memory_space<hbm>> -> memref<64x512xf32, #tpu.memory_space<hbm>>
      %dma_start3A_105 = arith.constant 0 : i32
      %dma_start3A_106 = tpu.memref_slice %arg4[%multiple_of3A_102, %dma_start3A_105] : memref<819200x512xf32, #tpu.memory_space<hbm>> -> memref<64x512xf32, #tpu.memory_space<hbm>>
      tpu.enqueue_dma source(%arg8 : memref<64x512xf32, #tpu.memory_space<vmem>>) target(%dma_start3A_106 : memref<64x512xf32, #tpu.memory_space<hbm>>) target_semaphore(%arg14 : memref<!tpu.dma_semaphore, #tpu.memory_space<semaphore_mem>>)
      %dma_wait3A_107 = arith.constant 0 : i32
      %dma_wait3A_108 = tpu.memref_slice %arg4[%mul3A_2, %dma_wait3A_107] : memref<819200x512xf32, #tpu.memory_space<hbm>> -> memref<64x512xf32, #tpu.memory_space<hbm>>
      %dma_wait3A_109 = arith.constant 0 : i32
      %dma_wait3A_110 = tpu.memref_slice %arg4[%mul3A_2, %dma_wait3A_109] : memref<819200x512xf32, #tpu.memory_space<hbm>> -> memref<64x512xf32, #tpu.memory_space<hbm>>
      tpu.wait_dma2 semaphore(%arg13 : memref<!tpu.dma_semaphore, #tpu.memory_space<semaphore_mem>>) src(%arg7 : memref<64x512xf32, #tpu.memory_space<vmem>>) dst(%dma_wait3A_110 : memref<64x512xf32, #tpu.memory_space<hbm>>)
      %add3A_111 = arith.constant 2 : i32
      %add3A_112 = arith.addi %add3A_93, %add3A_111 : i32
      %mul3A_113 = arith.constant 64 : i32
      %mul3A_114 = arith.muli %add3A_112, %mul3A_113 : i32
      %dma_start3A_115 = tpu.memref_slice %arg5[%mul3A_114] : memref<25600xi32, #tpu.memory_space<vmem>> -> memref<64xi32, #tpu.memory_space<vmem>>
      %dma_start3A_116 = arith.constant 0 : i32
      %dma_start3A_117 = arith.constant 0 : i32
      %dma_start3A_118 = tpu.memref_slice %arg2[%dma_start3A_116, %dma_start3A_117] : memref<1000x512xf32, #tpu.memory_space<hbm>> -> memref<1000x512xf32, #tpu.memory_space<hbm>>
      tpu.enqueue_indirect_dma source(%dma_start3A_118 : memref<1000x512xf32, #tpu.memory_space<hbm>>) target(%arg7 : memref<64x512xf32, #tpu.memory_space<vmem>>) offsets(%dma_start3A_115 : memref<64xi32, #tpu.memory_space<vmem>>) semaphore(%arg10 : memref<!tpu.dma_semaphore, #tpu.memory_space<semaphore_mem>>)
      %add3A_119 = arith.constant 1 : i32
      %add3A_120 = arith.addi %add3A_93, %add3A_119 : i32
      %dma_wait3A_121 = arith.constant 0 : i32
      %dma_wait3A_122 = tpu.memref_slice %arg5[%dma_wait3A_121] : memref<25600xi32, #tpu.memory_space<vmem>> -> memref<64xi32, #tpu.memory_space<vmem>>
      %dma_wait3A_123 = arith.constant 0 : i32
      %dma_wait3A_124 = arith.constant 0 : i32
      %dma_wait3A_125 = tpu.memref_slice %arg2[%dma_wait3A_123, %dma_wait3A_124] : memref<1000x512xf32, #tpu.memory_space<hbm>> -> memref<1000x512xf32, #tpu.memory_space<hbm>>
      tpu.wait_indirect_dma semaphore(%arg9 : memref<!tpu.dma_semaphore, #tpu.memory_space<semaphore_mem>>) src(%dma_wait3A_125 : memref<1000x512xf32, #tpu.memory_space<hbm>>) dst(%arg6 : memref<64x512xf32, #tpu.memory_space<vmem>>)
      %mul3A_126 = arith.constant 64 : i32
      %mul3A_127 = arith.muli %add3A_120, %mul3A_126 : i32
      %add3A_128 = arith.addi %mul3A_2, %mul3A_127 : i32
      %multiple_of3A_129 = tpu.assume_multiple %add3A_128, 8 : i32
      %dma_start3A_130 = arith.constant 0 : i32
      %dma_start3A_131 = tpu.memref_slice %arg4[%multiple_of3A_129, %dma_start3A_130] : memref<819200x512xf32, #tpu.memory_space<hbm>> -> memref<64x512xf32, #tpu.memory_space<hbm>>
      %dma_start3A_132 = arith.constant 0 : i32
      %dma_start3A_133 = tpu.memref_slice %arg4[%multiple_of3A_129, %dma_start3A_132] : memref<819200x512xf32, #tpu.memory_space<hbm>> -> memref<64x512xf32, #tpu.memory_space<hbm>>
      tpu.enqueue_dma source(%arg6 : memref<64x512xf32, #tpu.memory_space<vmem>>) target(%dma_start3A_133 : memref<64x512xf32, #tpu.memory_space<hbm>>) target_semaphore(%arg12 : memref<!tpu.dma_semaphore, #tpu.memory_space<semaphore_mem>>)
      %dma_wait3A_134 = arith.constant 0 : i32
      %dma_wait3A_135 = tpu.memref_slice %arg4[%mul3A_2, %dma_wait3A_134] : memref<819200x512xf32, #tpu.memory_space<hbm>> -> memref<64x512xf32, #tpu.memory_space<hbm>>
      %dma_wait3A_136 = arith.constant 0 : i32
      %dma_wait3A_137 = tpu.memref_slice %arg4[%mul3A_2, %dma_wait3A_136] : memref<819200x512xf32, #tpu.memory_space<hbm>> -> memref<64x512xf32, #tpu.memory_space<hbm>>
      tpu.wait_dma2 semaphore(%arg14 : memref<!tpu.dma_semaphore, #tpu.memory_space<semaphore_mem>>) src(%arg8 : memref<64x512xf32, #tpu.memory_space<vmem>>) dst(%dma_wait3A_137 : memref<64x512xf32, #tpu.memory_space<hbm>>)
      %add3A_138 = arith.constant 2 : i32
      %add3A_139 = arith.addi %add3A_120, %add3A_138 : i32
      %mul3A_140 = arith.constant 64 : i32
      %mul3A_141 = arith.muli %add3A_139, %mul3A_140 : i32
      %dma_start3A_142 = tpu.memref_slice %arg5[%mul3A_141] : memref<25600xi32, #tpu.memory_space<vmem>> -> memref<64xi32, #tpu.memory_space<vmem>>
      %dma_start3A_143 = arith.constant 0 : i32
      %dma_start3A_144 = arith.constant 0 : i32
      %dma_start3A_145 = tpu.memref_slice %arg2[%dma_start3A_143, %dma_start3A_144] : memref<1000x512xf32, #tpu.memory_space<hbm>> -> memref<1000x512xf32, #tpu.memory_space<hbm>>
      tpu.enqueue_indirect_dma source(%dma_start3A_145 : memref<1000x512xf32, #tpu.memory_space<hbm>>) target(%arg8 : memref<64x512xf32, #tpu.memory_space<vmem>>) offsets(%dma_start3A_142 : memref<64xi32, #tpu.memory_space<vmem>>) semaphore(%arg11 : memref<!tpu.dma_semaphore, #tpu.memory_space<semaphore_mem>>)
      %add3A_146 = arith.constant 2 : i32
      %add3A_147 = arith.addi %add3A_93, %add3A_146 : i32
      %dma_wait3A_148 = arith.constant 0 : i32
      %dma_wait3A_149 = tpu.memref_slice %arg5[%dma_wait3A_148] : memref<25600xi32, #tpu.memory_space<vmem>> -> memref<64xi32, #tpu.memory_space<vmem>>
      %dma_wait3A_150 = arith.constant 0 : i32
      %dma_wait3A_151 = arith.constant 0 : i32
      %dma_wait3A_152 = tpu.memref_slice %arg2[%dma_wait3A_150, %dma_wait3A_151] : memref<1000x512xf32, #tpu.memory_space<hbm>> -> memref<1000x512xf32, #tpu.memory_space<hbm>>
      tpu.wait_indirect_dma semaphore(%arg10 : memref<!tpu.dma_semaphore, #tpu.memory_space<semaphore_mem>>) src(%dma_wait3A_152 : memref<1000x512xf32, #tpu.memory_space<hbm>>) dst(%arg7 : memref<64x512xf32, #tpu.memory_space<vmem>>)
      %mul3A_153 = arith.constant 64 : i32
      %mul3A_154 = arith.muli %add3A_147, %mul3A_153 : i32
      %add3A_155 = arith.addi %mul3A_2, %mul3A_154 : i32
      %multiple_of3A_156 = tpu.assume_multiple %add3A_155, 8 : i32
      %dma_start3A_157 = arith.constant 0 : i32
      %dma_start3A_158 = tpu.memref_slice %arg4[%multiple_of3A_156, %dma_start3A_157] : memref<819200x512xf32, #tpu.memory_space<hbm>> -> memref<64x512xf32, #tpu.memory_space<hbm>>
      %dma_start3A_159 = arith.constant 0 : i32
      %dma_start3A_160 = tpu.memref_slice %arg4[%multiple_of3A_156, %dma_start3A_159] : memref<819200x512xf32, #tpu.memory_space<hbm>> -> memref<64x512xf32, #tpu.memory_space<hbm>>
      tpu.enqueue_dma source(%arg7 : memref<64x512xf32, #tpu.memory_space<vmem>>) target(%dma_start3A_160 : memref<64x512xf32, #tpu.memory_space<hbm>>) target_semaphore(%arg13 : memref<!tpu.dma_semaphore, #tpu.memory_space<semaphore_mem>>)
      %dma_wait3A_161 = arith.constant 0 : i32
      %dma_wait3A_162 = tpu.memref_slice %arg4[%mul3A_2, %dma_wait3A_161] : memref<819200x512xf32, #tpu.memory_space<hbm>> -> memref<64x512xf32, #tpu.memory_space<hbm>>
      %dma_wait3A_163 = arith.constant 0 : i32
      %dma_wait3A_164 = tpu.memref_slice %arg4[%mul3A_2, %dma_wait3A_163] : memref<819200x512xf32, #tpu.memory_space<hbm>> -> memref<64x512xf32, #tpu.memory_space<hbm>>
      tpu.wait_dma2 semaphore(%arg12 : memref<!tpu.dma_semaphore, #tpu.memory_space<semaphore_mem>>) src(%arg6 : memref<64x512xf32, #tpu.memory_space<vmem>>) dst(%dma_wait3A_164 : memref<64x512xf32, #tpu.memory_space<hbm>>)
      %add3A_165 = arith.constant 2 : i32
      %add3A_166 = arith.addi %add3A_147, %add3A_165 : i32
      %mul3A_167 = arith.constant 64 : i32
      %mul3A_168 = arith.muli %add3A_166, %mul3A_167 : i32
      %dma_start3A_169 = tpu.memref_slice %arg5[%mul3A_168] : memref<25600xi32, #tpu.memory_space<vmem>> -> memref<64xi32, #tpu.memory_space<vmem>>
      %dma_start3A_170 = arith.constant 0 : i32
      %dma_start3A_171 = arith.constant 0 : i32
      %dma_start3A_172 = tpu.memref_slice %arg2[%dma_start3A_170, %dma_start3A_171] : memref<1000x512xf32, #tpu.memory_space<hbm>> -> memref<1000x512xf32, #tpu.memory_space<hbm>>
      tpu.enqueue_indirect_dma source(%dma_start3A_172 : memref<1000x512xf32, #tpu.memory_space<hbm>>) target(%arg6 : memref<64x512xf32, #tpu.memory_space<vmem>>) offsets(%dma_start3A_169 : memref<64xi32, #tpu.memory_space<vmem>>) semaphore(%arg9 : memref<!tpu.dma_semaphore, #tpu.memory_space<semaphore_mem>>)
    }
    %scan3A_52 = arith.constant 132 : i32
    %dma_wait3A_53 = arith.constant 0 : i32
    %dma_wait3A_54 = tpu.memref_slice %arg5[%dma_wait3A_53] : memref<25600xi32, #tpu.memory_space<vmem>> -> memref<64xi32, #tpu.memory_space<vmem>>
    %dma_wait3A_55 = arith.constant 0 : i32
    %dma_wait3A_56 = arith.constant 0 : i32
    %dma_wait3A_57 = tpu.memref_slice %arg2[%dma_wait3A_55, %dma_wait3A_56] : memref<1000x512xf32, #tpu.memory_space<hbm>> -> memref<1000x512xf32, #tpu.memory_space<hbm>>
    tpu.wait_indirect_dma semaphore(%arg11 : memref<!tpu.dma_semaphore, #tpu.memory_space<semaphore_mem>>) src(%dma_wait3A_57 : memref<1000x512xf32, #tpu.memory_space<hbm>>) dst(%arg8 : memref<64x512xf32, #tpu.memory_space<vmem>>)
    %add3A_58 = arith.constant 25472 : i32
    %add3A_59 = arith.addi %mul3A_2, %add3A_58 : i32
    %multiple_of3A_60 = tpu.assume_multiple %add3A_59, 8 : i32
    %dma_start3A_61 = arith.constant 0 : i32
    %dma_start3A_62 = tpu.memref_slice %arg4[%multiple_of3A_60, %dma_start3A_61] : memref<819200x512xf32, #tpu.memory_space<hbm>> -> memref<64x512xf32, #tpu.memory_space<hbm>>
    %dma_start3A_63 = arith.constant 0 : i32
    %dma_start3A_64 = tpu.memref_slice %arg4[%multiple_of3A_60, %dma_start3A_63] : memref<819200x512xf32, #tpu.memory_space<hbm>> -> memref<64x512xf32, #tpu.memory_space<hbm>>
    tpu.enqueue_dma source(%arg8 : memref<64x512xf32, #tpu.memory_space<vmem>>) target(%dma_start3A_64 : memref<64x512xf32, #tpu.memory_space<hbm>>) target_semaphore(%arg14 : memref<!tpu.dma_semaphore, #tpu.memory_space<semaphore_mem>>)
    %dma_wait3A_65 = arith.constant 0 : i32
    %dma_wait3A_66 = tpu.memref_slice %arg5[%dma_wait3A_65] : memref<25600xi32, #tpu.memory_space<vmem>> -> memref<64xi32, #tpu.memory_space<vmem>>
    %dma_wait3A_67 = arith.constant 0 : i32
    %dma_wait3A_68 = arith.constant 0 : i32
    %dma_wait3A_69 = tpu.memref_slice %arg2[%dma_wait3A_67, %dma_wait3A_68] : memref<1000x512xf32, #tpu.memory_space<hbm>> -> memref<1000x512xf32, #tpu.memory_space<hbm>>
    tpu.wait_indirect_dma semaphore(%arg9 : memref<!tpu.dma_semaphore, #tpu.memory_space<semaphore_mem>>) src(%dma_wait3A_69 : memref<1000x512xf32, #tpu.memory_space<hbm>>) dst(%arg6 : memref<64x512xf32, #tpu.memory_space<vmem>>)
    %add3A_70 = arith.constant 25536 : i32
    %add3A_71 = arith.addi %mul3A_2, %add3A_70 : i32
    %multiple_of3A_72 = tpu.assume_multiple %add3A_71, 8 : i32
    %dma_start3A_73 = arith.constant 0 : i32
    %dma_start3A_74 = tpu.memref_slice %arg4[%multiple_of3A_72, %dma_start3A_73] : memref<819200x512xf32, #tpu.memory_space<hbm>> -> memref<64x512xf32, #tpu.memory_space<hbm>>
    %dma_start3A_75 = arith.constant 0 : i32
    %dma_start3A_76 = tpu.memref_slice %arg4[%multiple_of3A_72, %dma_start3A_75] : memref<819200x512xf32, #tpu.memory_space<hbm>> -> memref<64x512xf32, #tpu.memory_space<hbm>>
    tpu.enqueue_dma source(%arg6 : memref<64x512xf32, #tpu.memory_space<vmem>>) target(%dma_start3A_76 : memref<64x512xf32, #tpu.memory_space<hbm>>) target_semaphore(%arg12 : memref<!tpu.dma_semaphore, #tpu.memory_space<semaphore_mem>>)
    %dma_wait3A_77 = arith.constant 0 : i32
    %dma_wait3A_78 = tpu.memref_slice %arg4[%mul3A_2, %dma_wait3A_77] : memref<819200x512xf32, #tpu.memory_space<hbm>> -> memref<64x512xf32, #tpu.memory_space<hbm>>
    %dma_wait3A_79 = arith.constant 0 : i32
    %dma_wait3A_80 = tpu.memref_slice %arg4[%mul3A_2, %dma_wait3A_79] : memref<819200x512xf32, #tpu.memory_space<hbm>> -> memref<64x512xf32, #tpu.memory_space<hbm>>
    tpu.wait_dma2 semaphore(%arg13 : memref<!tpu.dma_semaphore, #tpu.memory_space<semaphore_mem>>) src(%arg7 : memref<64x512xf32, #tpu.memory_space<vmem>>) dst(%dma_wait3A_80 : memref<64x512xf32, #tpu.memory_space<hbm>>)
    %dma_wait3A_81 = arith.constant 0 : i32
    %dma_wait3A_82 = tpu.memref_slice %arg4[%mul3A_2, %dma_wait3A_81] : memref<819200x512xf32, #tpu.memory_space<hbm>> -> memref<64x512xf32, #tpu.memory_space<hbm>>
    %dma_wait3A_83 = arith.constant 0 : i32
    %dma_wait3A_84 = tpu.memref_slice %arg4[%mul3A_2, %dma_wait3A_83] : memref<819200x512xf32, #tpu.memory_space<hbm>> -> memref<64x512xf32, #tpu.memory_space<hbm>>
    tpu.wait_dma2 semaphore(%arg14 : memref<!tpu.dma_semaphore, #tpu.memory_space<semaphore_mem>>) src(%arg8 : memref<64x512xf32, #tpu.memory_space<vmem>>) dst(%dma_wait3A_84 : memref<64x512xf32, #tpu.memory_space<hbm>>)
    %dma_wait3A_85 = arith.constant 0 : i32
    %dma_wait3A_86 = tpu.memref_slice %arg4[%mul3A_2, %dma_wait3A_85] : memref<819200x512xf32, #tpu.memory_space<hbm>> -> memref<64x512xf32, #tpu.memory_space<hbm>>
    %dma_wait3A_87 = arith.constant 0 : i32
    %dma_wait3A_88 = tpu.memref_slice %arg4[%mul3A_2, %dma_wait3A_87] : memref<819200x512xf32, #tpu.memory_space<hbm>> -> memref<64x512xf32, #tpu.memory_space<hbm>>
    tpu.wait_dma2 semaphore(%arg12 : memref<!tpu.dma_semaphore, #tpu.memory_space<semaphore_mem>>) src(%arg6 : memref<64x512xf32, #tpu.memory_space<vmem>>) dst(%dma_wait3A_88 : memref<64x512xf32, #tpu.memory_space<hbm>>)
    return
  }
}

module attributes {stable_mosaic.version = 14 : i64} {
  func.func @_proj_body(%arg0: memref<1000x256xf32, #tpu.memory_space<vmem>>, %arg1: memref<512x256xf32, #tpu.memory_space<vmem>>, %arg2: memref<1x512xf32, #tpu.memory_space<vmem>>, %arg3: memref<1000x512xf32, #tpu.memory_space<vmem>>) attributes {dimension_semantics = [], scalar_prefetch = 0 : i64, scratch_operands = 0 : i64, tpu.core_type = #tpu.core_type<tc>} {
    %get3A = arith.constant 0 : index
    %get3A_0 = arith.constant 0 : index
    %get3A_1 = vector.load %arg0[%get3A, %get3A_0] : memref<1000x256xf32, #tpu.memory_space<vmem>>, vector<1000x256xf32>
    %get3A_2 = arith.constant 0 : index
    %get3A_3 = arith.constant 0 : index
    %get3A_4 = vector.load %arg1[%get3A_2, %get3A_3] : memref<512x256xf32, #tpu.memory_space<vmem>>, vector<512x256xf32>
    %dot_general3A = arith.constant dense<0.000000e+00> : vector<1000x512xf32>
    %dot_general3A_5 = tpu.matmul %get3A_1, %get3A_4, %dot_general3A {dimension_numbers = #tpu.dot_dimension_numbers<[1], [1], [0], [0], [0, 0, 1, 0], [], []>, transpose_lhs_hint = false} : vector<1000x256xf32>, vector<512x256xf32>, vector<1000x512xf32> -> vector<1000x512xf32>
    %get3A_6 = arith.constant 0 : index
    %get3A_7 = arith.constant 0 : index
    %get3A_8 = vector.load %arg2[%get3A_6, %get3A_7] : memref<1x512xf32, #tpu.memory_space<vmem>>, vector<1x512xf32>
    %add3A = vector.broadcast %get3A_8 : vector<1x512xf32> to vector<1000x512xf32>
    %add3A_9 = arith.addf %dot_general3A_5, %add3A : vector<1000x512xf32>
    %swap3A = arith.constant 0 : index
    %swap3A_10 = arith.constant 0 : index
    %swap3A_11 = vector.load %arg3[%swap3A, %swap3A_10] : memref<1000x512xf32, #tpu.memory_space<vmem>>, vector<1000x512xf32>
    tpu.vector_store %arg3[%swap3A, %swap3A_10], %add3A_9 {strides = array<i32>} : memref<1000x512xf32, #tpu.memory_space<vmem>>, vector<1000x512xf32>,
    return
  }
}

</mosaic_0001>

<sc_bundles>
// kernel: kernel.4.cloned.1.call-start
scs
__scs_entry_jumppad:
0x0: {  	(pc) =	sbr.rel $0x88, $3  }
0x1: {  	(tag) =	ssettag $0x0;
	lr =	simm.s32 $0x1  }
0x2: {  	[smem:$0x3F9D] =	sst lr;
	_ =	strace $0xD0000000  }
0x3: {  	_ = 	snop  }
0x4: {  	_ = 	snop  }
0x5: {  	_ = 	snop  }
0x6: {  	_ = 	snop  }
0x7: {  	_ = 	snop  }
__scs_overlays_trampoline_lowered:
0x8: {  	[smem:$0x3FAC] =	sst s0  }
0x9: {  	[smem:$0x3FAD] =	sst s1  }
0xa: {  	[smem:$0x3FAE] =	sst s2  }
0xb: {  	[smem:$0x3FAF] =	sst s3  }
0xc: {  	[smem:$0x3FB0] =	sst s4  }
0xd: {  	[smem:$0x3FB1] =	sst s5  }
0xe: {  	[smem:$0x3FB2] =	sst s6  }
0xf: {  	[smem:$0x3FB3] =	sst s7  }
0x10: {  	[smem:$0x3FB4] =	sst s8  }
0x11: {  	[smem:$0x3FB5] =	sst s9;
	s0 =	simm.s32 @!p0 $0x0  }
0x12: {  	s1 =	sld [smem:$0x3F9B];
	s0 =	simm.s32 @p0 $0x1  }
0x13: {  	[smem:$0x3FB6] =	sst s0;
	s0 =	simm.s32 @!p1 $0x0  }
0x14: {  	s2 =	sld [smem:$0x3F9A];
	s0 =	simm.s32 @p1 $0x1  }
0x15: {  	[smem:$0x3FB7] =	sst s0;
	s0 =	simm.s32 @!p2 $0x0  }
0x16: {  	s3 =	sld [smem:$0x3FDB];
	s0 =	simm.s32 @p2 $0x1  }
0x17: {  	s4 =	simm.s32 $0x1BF5;
	[smem:$0x3FB9] =	sst s0  }
0x18: {  	s0 =	sld [smem:$0x3F9C];
	_ =	swait.ge [sflag:s4], $0x0  }
0x19: {  	s7 =	sld [smem:$0x3F9D]  }
0x1a: {  	s8 =	sadd.s32 $0xFFFFE003, lr  }
0x1b: {  	s9 =	sadd.s32 $0xFFFFFEF7, lr;
	s5 =	simm.s32 $0xFFFFFFFF;
	p2 =	slt.u32 s8, $0xFFFFF086  }
0x1c: {  	p1 =	slt.u32 s9, $0xF7A;
	s5 =	simm.s32 @!p2 $0x0  }
0x1d: {  	s5 =	simm.s32 @p1 $0x1;
	p0 =	seq.s32 s7, s2  }
0x1e: {  	s7 =	smul.u32 @!p0 $0xF7A, s2;
	p2 =	seq.s32 @!p0 s5, $0x0  }
0x1f: {  	s9 =	smul.u32 $0xF7A, s1;
	s8 =	simm.s32 @!p0 $0x1BF5;
	p2 =	por !p2, p0  }
0x20: {  	[sflag:s8] =	ssyncset.s32 @!p0 $0xFFFFF086;
	s6 =	sadd.s32 @!p0 s3, s7;
	s7 =	simm.s32 @!p0 $0x108  }
0x21: {  	s3 =	sadd.s32 s3, s9;
	s6 =	sadd.s32 @!p0 $0x88, s6;
	s7 =	simm.s32 @p2 $0x1082  }
0x22: {  	[simem:s7], [sflag:s8] =	dma.local @!p0 [hbm:s6], $0xF7A  }
0x23: {  	s9 =	sor.u32 $0xD0000000, s2;
	s6 =	simm.s32 $0x108;
	_ =	swait.ge @!p0 [sflag:s8], $0x0  }
0x24: {  	s3 =	sadd.s32 $0x88, s3;
	s6 =	simm.s32 @!p1 $0x1082;
	[sflag:s4] =	ssyncset.s32 $0xFFFFF086  }
0x25: {  	[simem:s6], [sflag:s4] =	dma.local [hbm:s3], $0xF7A  }
0x26: {  	[smem:$0x3F9D] =	sst s1;
	(tag) =	ssettag s2;
	_ =	strace s9  }
0x27: {  	s1 =	sld [smem:$0x3FAD]  }
0x28: {  	s2 =	sld [smem:$0x3FAE]  }
0x29: {  	s4 =	sld [smem:$0x3FB0]  }
0x2a: {  	p0 =	seq.s32 s5, $0x0;
	s5 =	sld [smem:$0x3FB1]  }
0x2b: {  	s6 =	sld [smem:$0x3FB2]  }
0x2c: {  	s7 =	sld [smem:$0x3FB3]  }
0x2d: {  	s3 =	simm.s32 $0x108;
	s8 =	sld [smem:$0x3FB4]  }
0x2e: {  	s3 =	simm.s32 @!p0 $0x1082;
	s9 =	sld [smem:$0x3FB5]  }
0x2f: {  	lr =	sadd.s32 s0, s3;
	s0 =	sld [smem:$0x3FAC]  }
0x30: {  	s3 =	sld [smem:$0x3FAF]  }
0x31: {  	[smem:$0x3FB8] =	sst s10  }
0x32: {  	s10 =	sld [smem:$0x3FB6];
	_ =	sdelay $0x3  }
0x33: {  	p0 =	seq.s32 s10, $0x1;
	s10 =	sld [smem:$0x3FB8];
	_ =	sdelay $0x3  }
0x34: {  	[smem:$0x3FB8] =	sst s10  }
0x35: {  	s10 =	sld [smem:$0x3FB7];
	_ =	sdelay $0x3  }
0x36: {  	p1 =	seq.s32 s10, $0x1;
	s10 =	sld [smem:$0x3FB8];
	_ =	sdelay $0x3  }
0x37: {  	[smem:$0x3FB8] =	sst s10  }
0x38: {  	s10 =	sld [smem:$0x3FB9]  }
0x39: {  	_ = 	snop;
	(pc) =	sbr.ind lr, $3  }
0x3a: {  	_ = 	snop  }
0x3b: {  	_ = 	snop  }
0x3c: {  	p2 =	seq.s32 s10, $0x1;
	s10 =	sld [smem:$0x3FB8]  }
0x3d: {  	_ =	shalt  }
0x3e: {  	_ =	shalt  }
0x3f: {  	_ =	shalt  }
0x40: {  	_ =	shalt  }
0x41: {  	_ =	shalt  }
0x42: {  	_ =	shalt  }
0x43: {  	_ =	shalt  }
0x44: {  	_ =	shalt  }
0x45: {  	_ =	shalt  }
0x46: {  	_ =	shalt  }
0x47: {  	_ =	shalt  }
0x48: {  	_ =	shalt  }
0x49: {  	_ =	shalt  }
0x4a: {  	_ =	shalt  }
0x4b: {  	_ =	shalt  }
0x4c: {  	_ =	shalt  }
0x4d: {  	_ =	shalt  }
0x4e: {  	_ =	shalt  }
0x4f: {  	_ =	shalt  }
0x50: {  	_ =	shalt  }
0x51: {  	_ =	shalt  }
0x52: {  	_ =	shalt  }
0x53: {  	_ =	shalt  }
0x54: {  	_ =	shalt  }
0x55: {  	_ =	shalt  }
0x56: {  	_ =	shalt  }
0x57: {  	_ =	shalt  }
0x58: {  	_ =	shalt  }
0x59: {  	_ =	shalt  }
0x5a: {  	_ =	shalt  }
0x5b: {  	_ =	shalt  }
0x5c: {  	_ =	shalt  }
0x5d: {  	_ =	shalt  }
0x5e: {  	_ =	shalt  }
0x5f: {  	_ =	shalt  }
0x60: {  	_ =	shalt  }
0x61: {  	_ =	shalt  }
0x62: {  	_ =	shalt  }
0x63: {  	_ =	shalt  }
0x64: {  	_ =	shalt  }
0x65: {  	_ =	shalt  }
0x66: {  	_ =	shalt  }
0x67: {  	_ =	shalt  }
0x68: {  	_ =	shalt  }
0x69: {  	_ =	shalt  }
0x6a: {  	_ =	shalt  }
0x6b: {  	_ =	shalt  }
0x6c: {  	_ =	shalt  }
0x6d: {  	_ =	shalt  }
0x6e: {  	_ =	shalt  }
0x6f: {  	_ =	shalt  }
0x70: {  	_ =	shalt  }
0x71: {  	_ =	shalt  }
0x72: {  	_ =	shalt  }
0x73: {  	_ =	shalt  }
0x74: {  	_ =	shalt  }
0x75: {  	_ =	shalt  }
0x76: {  	_ =	shalt  }
0x77: {  	_ =	shalt  }
0x78: {  	_ =	shalt  }
0x79: {  	_ =	shalt  }
0x7a: {  	_ =	shalt  }
0x7b: {  	_ =	shalt  }
0x7c: {  	_ =	shalt  }
0x7d: {  	_ =	shalt  }
0x7e: {  	_ =	shalt  }
0x7f: {  	_ =	shalt  }
0x80: {  	_ =	shalt  }
0x81: {  	_ =	shalt  }
0x82: {  	_ =	shalt  }
0x83: {  	_ =	shalt  }
0x84: {  	_ =	shalt  }
0x85: {  	_ =	shalt  }
0x86: {  	_ =	shalt  }
0x87: {  	_ =	shalt  }
.Lfunc_end0:
.L_simem_size_0:
called_computation_lowered:
.L_overlay_start_0:
0x88: {  	s2 =	sld [smem:$0x3FD9]  }
0x89: {  	s3 =	sld [smem:$0x3FFE];
	_ =	sdelay $0x1  }
0x8a: {  	s1 =	srdreg.scid  }
0x8b: {  	s0 =	sand.u32 $0x1, s1  }
0x8c: {  	s17 =	sshll.u32 s0, $0xA;
	s2 =	sadd.s32 s3, s2  }
0x8d: {  	s2 =	sadd.s32 s2, s17  }
0x8e: {  	[smem:$0x3FC4] =	sst s2  }
0x8f: {  	_ = 	snop  }
0x90: {  	s2 =	sld [smem:$0x3FD0];
	(tm) =	ssettm $0x1  }
0x91: {  	s18 =	sld [smem:$0x3FFB];
	_ =	sdelay $0x3  }
0x92: {  	_ =	strace s18  }
0x93: {  	s3 =	sld [smem:$0x3FFC];
	_ =	sdelay $0x3  }
0x94: {  	_ =	strace s3  }
0x95: {  	s3 =	sld [smem:$0x3FFD];
	_ =	sdelay $0x3  }
0x96: {  	_ =	strace s3  }
0x97: {  	_ =	strace $0x8FFFFFFF  }
0x98: {  	s19 =	sld [smem:$0x3FDB];
	_ =	sdelay $0x1  }
0x99: {  	s4 =	simm.s32 $_scs_section_size  }
0x9a: {  	s5 =	simm.s32 $_size__tile_overlayer_lowered;
	s6 =	simm.s32 $_tile_overlayer_lowered  }
0x9b: {  	s22 =	simm.s32 $0x1BFF;
	s21 =	sshll.u32 s6, $0x1;
	s3 =	sadd.s32 s4, s19  }
0x9c: {  	s7 =	simm.s32 $0x0;
	s20 =	sshll.u32 s5, $0x1;
	s5 =	sadd.s32 s21, s3  }
0x9d: {  	[timem:s7], [sflag:s22] =	dma.local [hbm:s5], s20  }
0x9e: {  	_ =	swait.ge [sflag:s22], s20  }
0x9f: {  	s4 =	ssub.s32 $0x0, s20;
	[sflag:s22] =	ssyncset.done $0x0  }
0xa0: {  	[sflag:s22] =	ssyncadd.s32 s4;
	_ =	sdelay $0x1  }
0xa1: {  	s23 =	simm.s32 $0x1B8B  }
0xa2: {  	_ =	swait.ge [sflag:s23], $0x1  }
0xa3: {  	[sflag:s23] =	ssyncset.done $0x0  }
0xa4: {  	s25 =	simm.s32 $0x1B8E;
	s24 =	sld [smem:$0x3FFE];
	[sflag:s23] =	ssyncadd.s32 $0xFFFFFFFF  }
0xa5: {  	s26 =	simm.s32 $execute0_lowered;
	[smem:$0x3FD2] =	sst s25  }
0xa6: {  	s5 =	sshll.u32 s26, $0x1;
	_ =	strace $0x80000046;
	[dreg:$0x1] =	wrdreg $0xFFFFFFFF  }
0xa7: {  	s28 =	simm.s32 $_size_execute0_lowered;
	s3 =	sadd.s32 s3, s5;
	[dreg:$0x0] =	wrdreg $0x0  }
0xa8: {  	s5 =	sshll.u32 s28, $0x1;
	[dreg:$0x2] =	wrdreg s3  }
0xa9: {  	[dreg:$0x3] =	wrdreg s5  }
0xaa: {  	[dreg:$0x4] =	wrdreg $0xC0  }
0xab: {  	_ =	task [dreg:s7], $0x5FFFF  }
0xac: {  	[dreg:$0x1] =	wrdreg $0xFFFFFFFF  }
0xad: {  	[dreg:$0x0] =	wrdreg $0x60  }
0xae: {  	[dreg:$0x2] =	wrdreg s24  }
0xaf: {  	[dreg:$0x3] =	wrdreg s2  }
0xb0: {  	[dreg:$0x4] =	wrdreg $0x9  }
0xb1: {  	_ =	task.clear_ibuf [dreg:s7], $0x5FFFF;
	_ =	strace $0x90000046  }
0xb2: {  	s29 =	simm.s32 $0x9;
	_ =	strace $0x80000048  }
0xb3: {  	_ =	swait.ge [sflag:s29], $0x1  }
0xb4: {  	[sflag:s29] =	ssyncadd.s32 $0xFFFFFFFF  }
0xb5: {  	_ =	strace $0x90000048  }
0xb6: {  	_ =	sfence  }
0xb7: {  	s30 =	sld [smem:$0x0];
	_ =	sdelay $0x2  }
0xb8: {  	s31 =	sshll.u32 s1, $0xD;
	s1 =	sshrl.u32 s1, $0x2  }
0xb9: {  	s3 =	sand.u32 $0x4000, s31;
	s1 =	sadd.s32 s1, s30  }
0xba: {  	s0 =	sor.u32 s3, s0;
	s1 =	sshll.u32 s1, $0x11  }
0xbb: {  	s0 =	sor.u32 s1, s0  }
0xbc: {  	s0 =	sadd.s32 $0x8F2B, s0  }
0xbd: {  	[sflag:s0] =	ssyncadd.remote.s32 $0x1  }
0xbe: {  	_ =	sfence.sel $0xFFFF  }
0xbf: {  	[dreg:$0x0] =	wrdreg $0xFFFFFFFF;
	(pc) =	sbr.abs _section_cstart, $3  }
0xc0: {  	[dreg:$0x1] =	wrdreg $0xFFFFFFFF  }
0xc1: {  	_ =	task.clear_ibuf [dreg:s7], $0x2FFFF;
	_ =	strace $0x9FFFFFFF  }
0xc2: {  	(tm) =	ssettm $0x7FFFFFFF  }
0xc3: {  	_ =	shalt  }
tec
execute0_lowered:
.L_overlay_start_1:
0x0: {  	(tag) =	ssettag $0x1  }
0x1: {  	s0 =	rddreg [dreg:$0x0];
	s1 =	srdreg.scid  }
0x2: {  	s10 =	stileid.u32;
	s4 =	rddreg [dreg:$0x1];
	s2 =	simm.s32 $0x0  }
0x3: {  	s31 =	simm.s32 $0x6C00;
	s28 =	simm.s32 $0x7400;
	s16 =	simm.s32 $0x7C00  }
0x4: {  	s17 =	simm.s32 $0x8C00;
	s18 =	simm.s32 $0x9C00;
	s19 =	simm.s32 $0xAC00  }
0x5: {  	s20 =	simm.s32 $0xBC00;
	s12 =	simm.s32 $0xF400;
	s29 =	simm.s32 $0xFC00  }
0x6: {  	s30 =	simm.s32 $0x10400;
	s15 =	simm.s32 $0x1;
	s11 =	simm.s32 $0x4  }
0x7: {  	s13 =	simm.s32 $0x5;
	s14 =	simm.s32 $0x0;
	s1 =	sand.u32 $0x1, s1  }
0x8: {  	s3 =	sshll.u32 s10, $0x1;
	[smem:$0x7FF] =	sst s2;
	s23 =	smul.u32 $0x320000, s10  }
0x9: {  	s5 =	sor.u32 s1, s3;
	s7 =	ssub.s32 $0x2, s1;
	s1 =	smul.u32 $0x190000, s1  }
0xa: {  	s10 =	simm.s32 $0xD400;
	_ =	strace $0x80000047;
	s6 =	smul.u32 $0x6400, s5  }
0xb: {  	s3 =	sadd.s32 $0x19C00, s0;
	[dreg:$0xa] =	wrdreg s14;
	s9 =	smul.u32 $0xC80000, s5  }
0xc: {  	s8 =	sshrl.u32 s7, $0x1;
	s21 =	smul.u32 $0x190000, s5;
	s5 =	sadd.s32 $0x19D00, s0  }
0xd: {  	s7 =	ssub.s32 s7, s8;
	s8 =	simm.s32 $0xB400;
	s6 =	sshrl.u32 s6, $0x3  }
0xe: {  	s22 =	sshrl.u32 s9, $0x3;
	s25 =	smax.u32 s7, $0x1;
	s7 =	simm.s32 $0xA400  }
0xf: {  	s9 =	simm.s32 $0xC400;
	s6 =	sadd.s32 s6, s0;
	s0 =	sadd.s32 s4, s22  }
0x10: {  	[dreg:$0x9] =	wrdreg s25;
	s22 =	simm.s32 $0xDC00;
	s6 =	sadd.s32 $0xC00, s6  }
0x11: {  	s25 =	simm.s32 $0x3;
	s24 =	sadd.s32 $0x18E000, s0;
	[dreg:$0x4] =	wrdreg s6  }
0x12: {  	s0 =	sadd.s32 $0x18F000, s0;
	s6 =	sadd.s32 s4, s21;
	[dreg:$0x7] =	wrdreg s24  }
0x13: {  	s4 =	sadd.s32 s23, s4;
	[dreg:$0x8] =	wrdreg s0;
	s0 =	simm.s32 $0x8400  }
0x14: {  	s23 =	simm.s32 $0x9400;
	s21 =	simm.s32 $0xCC00;
	s24 =	simm.s32 $0x2  }
0x15: {  	v2 =	vlaneseq.u32;
	[dreg:$0x5] =	wrdreg s6;
	s6 =	sadd.s32 $0x1000, s6;
	s26 =	sadd.s32 s1, s4  }
0x16: {  	vm0 =	vmmov $0xffff;
	v1 =	vshrl.u32 v2, $0x3;
	s1 =	simm.s32 $0xE400;
	s4 =	simm.s32 $0x16400;
	[dreg:$0x6] =	wrdreg s6  }
0x17: {  	v0 =	vand.u32 $0x7, v2;
	v2 =	vor.u32 $0x8, v2;
	v1 =	vmul.u32 $0x8, v1;
	[dreg:$0x3] =	wrdreg s26;
	s6 =	simm.s32 $0xEC00;
	s26 =	simm.s32 $0x6  }
.LBB2_1:
0x18: {  	s14 =	rddreg [dreg:$0x4]  }
0x19: {  	[tilespmem:s2], [sflag:$0x7] =	stream.linear.gather [hbm4b:s14+s2], $0x6400, $0x38;
	[tilespmem:$0x1E400] =	vst v63  }
0x1a: {  	s14 =	simm.s32 $0x7  }
0x1b: {  	_ =	swait.ge [sflag:s14], $0x6400  }
0x1c: {  	[sflag:s14] =	ssyncset.done $0x0  }
0x1d: {  	[sflag:s14] =	ssyncadd.s32 $0xFFFF9C00  }
0x1e: {  	v3 =	vld [tilespmem:$0x0];
	_ =	sdelay $0x4  }
0x1f: {  	v4 =	vshll.u32 v3, $0x2  }
0x20: {  	v3 =	vand.u32 $0x7, v3;
	v4 =	vand.u32 $0xFFFFFFE0, v4  }
0x21: {  	v3 =	vor.u32 v3, v4  }
0x22: {  	v4 =	vperm.xlane v3, v0;
	_ =	sdelay $0x1  }
0x23: {  	v4 =	vadd.s32 v1, v4;
	_ =	sdelay $0x1  }
0x24: {  	v3 =	vperm.xlane v3, v2;
	_ =	sdelay $0x1  }
0x25: {  	s14 =	simm.s32 $0x6400;
	v3 =	vadd.s32 v1, v3  }
0x26: {  	[tilespmem:s14], [sflag:$0x1] =	stream.indirect_vreg.gather [hbm4b:s3+s2], $0x80, v4, vm0, $0xb8;
	[tilespmem:$0x1E400] =	vst v63  }
0x27: {  	_ = 	snop  }
0x28: {  	[tilespmem:s31], [sflag:$0x1] =	stream.indirect_vreg.gather [hbm4b:s5+s2], $0x80, v4, vm0, $0xb8;
	[tilespmem:$0x1E400] =	vst v63  }
0x29: {  	_ = 	snop  }
0x2a: {  	[tilespmem:s28], [sflag:$0x1] =	stream.indirect_vreg.gather [hbm4b:s3+s2], $0x80, v3, vm0, $0xb8;
	[tilespmem:$0x1E400] =	vst v63  }
0x2b: {  	_ = 	snop  }
0x2c: {  	[tilespmem:s16], [sflag:$0x1] =	stream.indirect_vreg.gather [hbm4b:s5+s2], $0x80, v3, vm0, $0xb8;
	[tilespmem:$0x1E400] =	vst v63  }
0x2d: {  	v3 =	vld [tilespmem:$0x10];
	_ =	sdelay $0x4  }
0x2e: {  	v49 =	vshll.u32 v3, $0x2  }
0x2f: {  	v3 =	vand.u32 $0x7, v3;
	v4 =	vand.u32 $0xFFFFFFE0, v49  }
0x30: {  	v3 =	vor.u32 v3, v4  }
0x31: {  	v4 =	vperm.xlane v3, v0;
	_ =	sdelay $0x1  }
0x32: {  	v4 =	vadd.s32 v1, v4;
	_ =	sdelay $0x1  }
0x33: {  	v3 =	vperm.xlane v3, v2;
	_ =	sdelay $0x1  }
0x34: {  	v3 =	vadd.s32 v1, v3  }
0x35: {  	[tilespmem:s0], [sflag:$0x1] =	stream.indirect_vreg.gather [hbm4b:s3+s2], $0x80, v4, vm0, $0xb8;
	[tilespmem:$0x1E400] =	vst v63  }
0x36: {  	_ = 	snop  }
0x37: {  	[tilespmem:s17], [sflag:$0x1] =	stream.indirect_vreg.gather [hbm4b:s5+s2], $0x80, v4, vm0, $0xb8;
	[tilespmem:$0x1E400] =	vst v63  }
0x38: {  	_ = 	snop  }
0x39: {  	[tilespmem:s23], [sflag:$0x1] =	stream.indirect_vreg.gather [hbm4b:s3+s2], $0x80, v3, vm0, $0xb8;
	[tilespmem:$0x1E400] =	vst v63  }
0x3a: {  	_ = 	snop  }
0x3b: {  	[tilespmem:s18], [sflag:$0x1] =	stream.indirect_vreg.gather [hbm4b:s5+s2], $0x80, v3, vm0, $0xb8;
	[tilespmem:$0x1E400] =	vst v63  }
0x3c: {  	v3 =	vld [tilespmem:$0x20];
	_ =	sdelay $0x4  }
0x3d: {  	v50 =	vshll.u32 v3, $0x2  }
0x3e: {  	v3 =	vand.u32 $0x7, v3;
	v4 =	vand.u32 $0xFFFFFFE0, v50  }
0x3f: {  	v3 =	vor.u32 v3, v4  }
0x40: {  	v4 =	vperm.xlane v3, v0;
	_ =	sdelay $0x1  }
0x41: {  	v4 =	vadd.s32 v1, v4;
	_ =	sdelay $0x1  }
0x42: {  	v3 =	vperm.xlane v3, v2;
	_ =	sdelay $0x1  }
0x43: {  	v3 =	vadd.s32 v1, v3  }
0x44: {  	[tilespmem:s7], [sflag:$0x1] =	stream.indirect_vreg.gather [hbm4b:s3+s2], $0x80, v4, vm0, $0xb8;
	[tilespmem:$0x1E400] =	vst v63  }
0x45: {  	_ = 	snop  }
0x46: {  	[tilespmem:s19], [sflag:$0x1] =	stream.indirect_vreg.gather [hbm4b:s5+s2], $0x80, v4, vm0, $0xb8;
	[tilespmem:$0x1E400] =	vst v63  }
0x47: {  	_ = 	snop  }
0x48: {  	[tilespmem:s8], [sflag:$0x1] =	stream.indirect_vreg.gather [hbm4b:s3+s2], $0x80, v3, vm0, $0xb8;
	[tilespmem:$0x1E400] =	vst v63  }
0x49: {  	_ = 	snop  }
0x4a: {  	[tilespmem:s20], [sflag:$0x1] =	stream.indirect_vreg.gather [hbm4b:s5+s2], $0x80, v3, vm0, $0xb8;
	[tilespmem:$0x1E400] =	vst v63  }
0x4b: {  	v3 =	vld [tilespmem:$0x30];
	_ =	sdelay $0x4  }
0x4c: {  	v51 =	vshll.u32 v3, $0x2  }
0x4d: {  	v3 =	vand.u32 $0x7, v3;
	v4 =	vand.u32 $0xFFFFFFE0, v51  }
0x4e: {  	v3 =	vor.u32 v3, v4  }
0x4f: {  	v4 =	vperm.xlane v3, v0;
	_ =	sdelay $0x1  }
0x50: {  	v4 =	vadd.s32 v1, v4;
	_ =	sdelay $0x1  }
0x51: {  	v3 =	vperm.xlane v3, v2;
	_ =	sdelay $0x1  }
0x52: {  	v3 =	vadd.s32 v1, v3  }
0x53: {  	[tilespmem:s9], [sflag:$0x1] =	stream.indirect_vreg.gather [hbm4b:s3+s2], $0x80, v4, vm0, $0xb8;
	[tilespmem:$0x1E400] =	vst v63  }
0x54: {  	_ = 	snop  }
0x55: {  	[tilespmem:s21], [sflag:$0x1] =	stream.indirect_vreg.gather [hbm4b:s5+s2], $0x80, v4, vm0, $0xb8;
	[tilespmem:$0x1E400] =	vst v63  }
0x56: {  	_ = 	snop  }
0x57: {  	[tilespmem:s10], [sflag:$0x1] =	stream.indirect_vreg.gather [hbm4b:s3+s2], $0x80, v3, vm0, $0xb8;
	[tilespmem:$0x1E400] =	vst v63  }
0x58: {  	_ = 	snop  }
0x59: {  	[tilespmem:s22], [sflag:$0x1] =	stream.indirect_vreg.gather [hbm4b:s5+s2], $0x80, v3, vm0, $0xb8;
	[tilespmem:$0x1E400] =	vst v63  }
0x5a: {  	v3 =	vld [tilespmem:$0x40];
	_ =	sdelay $0x4  }
0x5b: {  	v52 =	vshll.u32 v3, $0x2  }
0x5c: {  	v3 =	vand.u32 $0x7, v3;
	v4 =	vand.u32 $0xFFFFFFE0, v52  }
0x5d: {  	v3 =	vor.u32 v3, v4  }
0x5e: {  	v4 =	vperm.xlane v3, v0;
	_ =	sdelay $0x1  }
0x5f: {  	v4 =	vadd.s32 v1, v4;
	_ =	sdelay $0x1  }
0x60: {  	v3 =	vperm.xlane v3, v2;
	_ =	sdelay $0x1  }
0x61: {  	v3 =	vadd.s32 v1, v3  }
0x62: {  	[tilespmem:s1], [sflag:$0x2] =	stream.indirect_vreg.gather [hbm4b:s3+s2], $0x80, v4, vm0, $0xb8;
	[tilespmem:$0x1E400] =	vst v63  }
0x63: {  	_ = 	snop  }
0x64: {  	[tilespmem:s6], [sflag:$0x2] =	stream.indirect_vreg.gather [hbm4b:s5+s2], $0x80, v4, vm0, $0xb8;
	[tilespmem:$0x1E400] =	vst v63  }
0x65: {  	_ = 	snop  }
0x66: {  	[tilespmem:s12], [sflag:$0x2] =	stream.indirect_vreg.gather [hbm4b:s3+s2], $0x80, v3, vm0, $0xb8;
	[tilespmem:$0x1E400] =	vst v63  }
0x67: {  	_ = 	snop  }
0x68: {  	[tilespmem:s29], [sflag:$0x2] =	stream.indirect_vreg.gather [hbm4b:s5+s2], $0x80, v3, vm0, $0xb8;
	[tilespmem:$0x1E400] =	vst v63  }
0x69: {  	v3 =	vld [tilespmem:$0x50];
	_ =	sdelay $0x4  }
0x6a: {  	v53 =	vshll.u32 v3, $0x2  }
0x6b: {  	v3 =	vand.u32 $0x7, v3;
	v4 =	vand.u32 $0xFFFFFFE0, v53  }
0x6c: {  	v3 =	vor.u32 v3, v4  }
0x6d: {  	v4 =	vperm.xlane v3, v0;
	_ =	sdelay $0x1  }
0x6e: {  	v4 =	vadd.s32 v1, v4;
	_ =	sdelay $0x1  }
0x6f: {  	v3 =	vperm.xlane v3, v2;
	_ =	sdelay $0x1  }
0x70: {  	v3 =	vadd.s32 v1, v3  }
0x71: {  	[tilespmem:s30], [sflag:$0x2] =	stream.indirect_vreg.gather [hbm4b:s3+s2], $0x80, v4, vm0, $0xb8;
	[tilespmem:$0x1E400] =	vst v63  }
0x72: {  	s14 =	simm.s32 $0x10C00  }
0x73: {  	[tilespmem:s14], [sflag:$0x2] =	stream.indirect_vreg.gather [hbm4b:s5+s2], $0x80, v4, vm0, $0xb8;
	[tilespmem:$0x1E400] =	vst v63  }
0x74: {  	s12 =	simm.s32 $0x11400  }
0x75: {  	[tilespmem:s12], [sflag:$0x2] =	stream.indirect_vreg.gather [hbm4b:s3+s2], $0x80, v3, vm0, $0xb8;
	[tilespmem:$0x1E400] =	vst v63  }
0x76: {  	s14 =	simm.s32 $0x11C00  }
0x77: {  	[tilespmem:s14], [sflag:$0x2] =	stream.indirect_vreg.gather [hbm4b:s5+s2], $0x80, v3, vm0, $0xb8;
	[tilespmem:$0x1E400] =	vst v63  }
0x78: {  	v3 =	vld [tilespmem:$0x60];
	_ =	sdelay $0x4  }
0x79: {  	v54 =	vshll.u32 v3, $0x2  }
0x7a: {  	v3 =	vand.u32 $0x7, v3;
	v4 =	vand.u32 $0xFFFFFFE0, v54  }
0x7b: {  	v3 =	vor.u32 v3, v4  }
0x7c: {  	v4 =	vperm.xlane v3, v0;
	_ =	sdelay $0x1  }
0x7d: {  	v4 =	vadd.s32 v1, v4;
	_ =	sdelay $0x1  }
0x7e: {  	v3 =	vperm.xlane v3, v2;
	_ =	sdelay $0x1  }
0x7f: {  	s12 =	simm.s32 $0x12400;
	v3 =	vadd.s32 v1, v3  }
0x80: {  	[tilespmem:s12], [sflag:$0x2] =	stream.indirect_vreg.gather [hbm4b:s3+s2], $0x80, v4, vm0, $0xb8;
	[tilespmem:$0x1E400] =	vst v63  }
0x81: {  	s14 =	simm.s32 $0x12C00  }
0x82: {  	[tilespmem:s14], [sflag:$0x2] =	stream.indirect_vreg.gather [hbm4b:s5+s2], $0x80, v4, vm0, $0xb8;
	[tilespmem:$0x1E400] =	vst v63  }
0x83: {  	s12 =	simm.s32 $0x13400  }
0x84: {  	[tilespmem:s12], [sflag:$0x2] =	stream.indirect_vreg.gather [hbm4b:s3+s2], $0x80, v3, vm0, $0xb8;
	[tilespmem:$0x1E400] =	vst v63  }
0x85: {  	s14 =	simm.s32 $0x13C00  }
0x86: {  	[tilespmem:s14], [sflag:$0x2] =	stream.indirect_vreg.gather [hbm4b:s5+s2], $0x80, v3, vm0, $0xb8;
	[tilespmem:$0x1E400] =	vst v63  }
0x87: {  	v3 =	vld [tilespmem:$0x70];
	_ =	sdelay $0x4  }
0x88: {  	v55 =	vshll.u32 v3, $0x2  }
0x89: {  	v3 =	vand.u32 $0x7, v3;
	v4 =	vand.u32 $0xFFFFFFE0, v55  }
0x8a: {  	v3 =	vor.u32 v3, v4  }
0x8b: {  	v4 =	vperm.xlane v3, v0;
	_ =	sdelay $0x1  }
0x8c: {  	v4 =	vadd.s32 v1, v4;
	_ =	sdelay $0x1  }
0x8d: {  	v3 =	vperm.xlane v3, v2;
	_ =	sdelay $0x1  }
0x8e: {  	s12 =	simm.s32 $0x14400;
	v3 =	vadd.s32 v1, v3  }
0x8f: {  	[tilespmem:s12], [sflag:$0x2] =	stream.indirect_vreg.gather [hbm4b:s3+s2], $0x80, v4, vm0, $0xb8;
	[tilespmem:$0x1E400] =	vst v63  }
0x90: {  	s14 =	simm.s32 $0x14C00  }
0x91: {  	[tilespmem:s14], [sflag:$0x2] =	stream.indirect_vreg.gather [hbm4b:s5+s2], $0x80, v4, vm0, $0xb8;
	[tilespmem:$0x1E400] =	vst v63  }
0x92: {  	s12 =	simm.s32 $0x15400  }
0x93: {  	[tilespmem:s12], [sflag:$0x2] =	stream.indirect_vreg.gather [hbm4b:s3+s2], $0x80, v3, vm0, $0xb8;
	[tilespmem:$0x1E400] =	vst v63  }
0x94: {  	s14 =	simm.s32 $0x15C00  }
0x95: {  	[tilespmem:s14], [sflag:$0x2] =	stream.indirect_vreg.gather [hbm4b:s5+s2], $0x80, v3, vm0, $0xb8;
	[tilespmem:$0x1E400] =	vst v63  }
0x96: {  	_ =	swait.ge [sflag:s15], $0x8000  }
0x97: {  	[sflag:s15] =	ssyncset.done $0x0  }
0x98: {  	s6 =	simm.s32 $0x6400;
	s12 =	rddreg [dreg:$0x5];
	[sflag:s15] =	ssyncadd.s32 $0xFFFF8000  }
0x99: {  	[hbm4b:s12+s2] =	stream.linear.scatter [tilespmem:s6], [sflag:$0x4], $0x8000, $0x38;
	[tilespmem:$0x1E400] =	vst v63  }
0x9a: {  	v3 =	vld [tilespmem:$0x80];
	_ =	sdelay $0x4  }
0x9b: {  	v56 =	vshll.u32 v3, $0x2  }
0x9c: {  	v3 =	vand.u32 $0x7, v3;
	v4 =	vand.u32 $0xFFFFFFE0, v56  }
0x9d: {  	v3 =	vor.u32 v3, v4  }
0x9e: {  	v4 =	vperm.xlane v3, v0;
	_ =	sdelay $0x1  }
0x9f: {  	v4 =	vadd.s32 v1, v4;
	_ =	sdelay $0x1  }
0xa0: {  	v3 =	vperm.xlane v3, v2;
	_ =	sdelay $0x1  }
0xa1: {  	v3 =	vadd.s32 v1, v3  }
0xa2: {  	[tilespmem:s4], [sflag:$0x3] =	stream.indirect_vreg.gather [hbm4b:s3+s2], $0x80, v4, vm0, $0xb8;
	[tilespmem:$0x1E400] =	vst v63  }
0xa3: {  	s14 =	simm.s32 $0x16C00  }
0xa4: {  	[tilespmem:s14], [sflag:$0x3] =	stream.indirect_vreg.gather [hbm4b:s5+s2], $0x80, v4, vm0, $0xb8;
	[tilespmem:$0x1E400] =	vst v63  }
0xa5: {  	s12 =	simm.s32 $0x17400  }
0xa6: {  	[tilespmem:s12], [sflag:$0x3] =	stream.indirect_vreg.gather [hbm4b:s3+s2], $0x80, v3, vm0, $0xb8;
	[tilespmem:$0x1E400] =	vst v63  }
0xa7: {  	s14 =	simm.s32 $0x17C00  }
0xa8: {  	[tilespmem:s14], [sflag:$0x3] =	stream.indirect_vreg.gather [hbm4b:s5+s2], $0x80, v3, vm0, $0xb8;
	[tilespmem:$0x1E400] =	vst v63  }
0xa9: {  	v3 =	vld [tilespmem:$0x90];
	_ =	sdelay $0x4  }
0xaa: {  	v57 =	vshll.u32 v3, $0x2  }
0xab: {  	v3 =	vand.u32 $0x7, v3;
	v4 =	vand.u32 $0xFFFFFFE0, v57  }
0xac: {  	v3 =	vor.u32 v3, v4  }
0xad: {  	v4 =	vperm.xlane v3, v0;
	_ =	sdelay $0x1  }
0xae: {  	v4 =	vadd.s32 v1, v4;
	_ =	sdelay $0x1  }
0xaf: {  	v3 =	vperm.xlane v3, v2;
	_ =	sdelay $0x1  }
0xb0: {  	s12 =	simm.s32 $0x18400;
	v3 =	vadd.s32 v1, v3  }
0xb1: {  	[tilespmem:s12], [sflag:$0x3] =	stream.indirect_vreg.gather [hbm4b:s3+s2], $0x80, v4, vm0, $0xb8;
	[tilespmem:$0x1E400] =	vst v63  }
0xb2: {  	s14 =	simm.s32 $0x18C00  }
0xb3: {  	[tilespmem:s14], [sflag:$0x3] =	stream.indirect_vreg.gather [hbm4b:s5+s2], $0x80, v4, vm0, $0xb8;
	[tilespmem:$0x1E400] =	vst v63  }
0xb4: {  	s12 =	simm.s32 $0x19400  }
0xb5: {  	[tilespmem:s12], [sflag:$0x3] =	stream.indirect_vreg.gather [hbm4b:s3+s2], $0x80, v3, vm0, $0xb8;
	[tilespmem:$0x1E400] =	vst v63  }
0xb6: {  	s14 =	simm.s32 $0x19C00  }
0xb7: {  	[tilespmem:s14], [sflag:$0x3] =	stream.indirect_vreg.gather [hbm4b:s5+s2], $0x80, v3, vm0, $0xb8;
	[tilespmem:$0x1E400] =	vst v63  }
0xb8: {  	v3 =	vld [tilespmem:$0xA0];
	_ =	sdelay $0x4  }
0xb9: {  	v58 =	vshll.u32 v3, $0x2  }
0xba: {  	v3 =	vand.u32 $0x7, v3;
	v4 =	vand.u32 $0xFFFFFFE0, v58  }
0xbb: {  	v3 =	vor.u32 v3, v4  }
0xbc: {  	v4 =	vperm.xlane v3, v0;
	_ =	sdelay $0x1  }
0xbd: {  	v4 =	vadd.s32 v1, v4;
	_ =	sdelay $0x1  }
0xbe: {  	v3 =	vperm.xlane v3, v2;
	_ =	sdelay $0x1  }
0xbf: {  	s12 =	simm.s32 $0x1A400;
	v3 =	vadd.s32 v1, v3  }
0xc0: {  	[tilespmem:s12], [sflag:$0x3] =	stream.indirect_vreg.gather [hbm4b:s3+s2], $0x80, v4, vm0, $0xb8;
	[tilespmem:$0x1E400] =	vst v63  }
0xc1: {  	s14 =	simm.s32 $0x1AC00  }
0xc2: {  	[tilespmem:s14], [sflag:$0x3] =	stream.indirect_vreg.gather [hbm4b:s5+s2], $0x80, v4, vm0, $0xb8;
	[tilespmem:$0x1E400] =	vst v63  }
0xc3: {  	s12 =	simm.s32 $0x1B400  }
0xc4: {  	[tilespmem:s12], [sflag:$0x3] =	stream.indirect_vreg.gather [hbm4b:s3+s2], $0x80, v3, vm0, $0xb8;
	[tilespmem:$0x1E400] =	vst v63  }
0xc5: {  	s14 =	simm.s32 $0x1BC00  }
0xc6: {  	[tilespmem:s14], [sflag:$0x3] =	stream.indirect_vreg.gather [hbm4b:s5+s2], $0x80, v3, vm0, $0xb8;
	[tilespmem:$0x1E400] =	vst v63  }
0xc7: {  	v3 =	vld [tilespmem:$0xB0];
	_ =	sdelay $0x4  }
0xc8: {  	v59 =	vshll.u32 v3, $0x2  }
0xc9: {  	v3 =	vand.u32 $0x7, v3;
	v4 =	vand.u32 $0xFFFFFFE0, v59  }
0xca: {  	v3 =	vor.u32 v3, v4  }
0xcb: {  	v4 =	vperm.xlane v3, v0;
	_ =	sdelay $0x1  }
0xcc: {  	v4 =	vadd.s32 v1, v4;
	_ =	sdelay $0x1  }
0xcd: {  	v3 =	vperm.xlane v3, v2;
	_ =	sdelay $0x1  }
0xce: {  	s12 =	simm.s32 $0x1C400;
	v3 =	vadd.s32 v1, v3  }
0xcf: {  	[tilespmem:s12], [sflag:$0x3] =	stream.indirect_vreg.gather [hbm4b:s3+s2], $0x80, v4, vm0, $0xb8;
	[tilespmem:$0x1E400] =	vst v63  }
0xd0: {  	s14 =	simm.s32 $0x1CC00  }
0xd1: {  	[tilespmem:s14], [sflag:$0x3] =	stream.indirect_vreg.gather [hbm4b:s5+s2], $0x80, v4, vm0, $0xb8;
	[tilespmem:$0x1E400] =	vst v63  }
0xd2: {  	s12 =	simm.s32 $0x1D400  }
0xd3: {  	[tilespmem:s12], [sflag:$0x3] =	stream.indirect_vreg.gather [hbm4b:s3+s2], $0x80, v3, vm0, $0xb8;
	[tilespmem:$0x1E400] =	vst v63  }
0xd4: {  	s14 =	simm.s32 $0x1DC00  }
0xd5: {  	[tilespmem:s14], [sflag:$0x3] =	stream.indirect_vreg.gather [hbm4b:s5+s2], $0x80, v3, vm0, $0xb8;
	[tilespmem:$0x1E400] =	vst v63  }
0xd6: {  	_ =	swait.ge [sflag:s24], $0x8000  }
0xd7: {  	[sflag:s24] =	ssyncset.done $0x0  }
0xd8: {  	s12 =	rddreg [dreg:$0x6];
	[sflag:s24] =	ssyncadd.s32 $0xFFFF8000  }
0xd9: {  	[hbm4b:s12+s2] =	stream.linear.scatter [tilespmem:s1], [sflag:$0x5], $0x8000, $0x38;
	[tilespmem:$0x1E400] =	vst v63  }
0xda: {  	_ =	swait.ge [sflag:s11], $0x8000  }
0xdb: {  	[sflag:s11] =	ssyncset.done $0x0  }
0xdc: {  	[sflag:s11] =	ssyncadd.s32 $0xFFFF8000  }
0xdd: {  	v3 =	vld [tilespmem:$0xC0];
	_ =	sdelay $0x4  }
0xde: {  	v60 =	vshll.u32 v3, $0x2  }
0xdf: {  	v3 =	vand.u32 $0x7, v3;
	v4 =	vand.u32 $0xFFFFFFE0, v60  }
0xe0: {  	v3 =	vor.u32 v3, v4  }
0xe1: {  	v4 =	vperm.xlane v3, v0;
	_ =	sdelay $0x1  }
0xe2: {  	v4 =	vadd.s32 v1, v4;
	_ =	sdelay $0x1  }
0xe3: {  	v3 =	vperm.xlane v3, v2;
	_ =	sdelay $0x1  }
0xe4: {  	v3 =	vadd.s32 v1, v3  }
0xe5: {  	[tilespmem:s6], [sflag:$0x1] =	stream.indirect_vreg.gather [hbm4b:s3+s2], $0x80, v4, vm0, $0xb8;
	[tilespmem:$0x1E400] =	vst v63  }
0xe6: {  	_ = 	snop  }
0xe7: {  	[tilespmem:s31], [sflag:$0x1] =	stream.indirect_vreg.gather [hbm4b:s5+s2], $0x80, v4, vm0, $0xb8;
	[tilespmem:$0x1E400] =	vst v63  }
0xe8: {  	_ = 	snop  }
0xe9: {  	[tilespmem:s28], [sflag:$0x1] =	stream.indirect_vreg.gather [hbm4b:s3+s2], $0x80, v3, vm0, $0xb8;
	[tilespmem:$0x1E400] =	vst v63  }
0xea: {  	_ = 	snop  }
0xeb: {  	[tilespmem:s16], [sflag:$0x1] =	stream.indirect_vreg.gather [hbm4b:s5+s2], $0x80, v3, vm0, $0xb8;
	[tilespmem:$0x1E400] =	vst v63  }
0xec: {  	v3 =	vld [tilespmem:$0xD0];
	_ =	sdelay $0x4  }
0xed: {  	v61 =	vshll.u32 v3, $0x2  }
0xee: {  	v3 =	vand.u32 $0x7, v3;
	v4 =	vand.u32 $0xFFFFFFE0, v61  }
0xef: {  	v3 =	vor.u32 v3, v4  }
0xf0: {  	v4 =	vperm.xlane v3, v0;
	_ =	sdelay $0x1  }
0xf1: {  	v4 =	vadd.s32 v1, v4;
	_ =	sdelay $0x1  }
0xf2: {  	v3 =	vperm.xlane v3, v2;
	_ =	sdelay $0x1  }
0xf3: {  	v3 =	vadd.s32 v1, v3  }
0xf4: {  	[tilespmem:s0], [sflag:$0x1] =	stream.indirect_vreg.gather [hbm4b:s3+s2], $0x80, v4, vm0, $0xb8;
	[tilespmem:$0x1E400] =	vst v63  }
0xf5: {  	_ = 	snop  }
0xf6: {  	[tilespmem:s17], [sflag:$0x1] =	stream.indirect_vreg.gather [hbm4b:s5+s2], $0x80, v4, vm0, $0xb8;
	[tilespmem:$0x1E400] =	vst v63  }
0xf7: {  	_ = 	snop  }
0xf8: {  	[tilespmem:s23], [sflag:$0x1] =	stream.indirect_vreg.gather [hbm4b:s3+s2], $0x80, v3, vm0, $0xb8;
	[tilespmem:$0x1E400] =	vst v63  }
0xf9: {  	_ = 	snop  }
0xfa: {  	[tilespmem:s18], [sflag:$0x1] =	stream.indirect_vreg.gather [hbm4b:s5+s2], $0x80, v3, vm0, $0xb8;
	[tilespmem:$0x1E400] =	vst v63  }
0xfb: {  	v3 =	vld [tilespmem:$0xE0];
	_ =	sdelay $0x4  }
0xfc: {  	v62 =	vshll.u32 v3, $0x2  }
0xfd: {  	v3 =	vand.u32 $0x7, v3;
	v4 =	vand.u32 $0xFFFFFFE0, v62  }
0xfe: {  	v3 =	vor.u32 v3, v4  }
0xff: {  	v4 =	vperm.xlane v3, v0;
	_ =	sdelay $0x1  }
0x100: {  	v4 =	vadd.s32 v1, v4;
	_ =	sdelay $0x1  }
0x101: {  	v3 =	vperm.xlane v3, v2;
	_ =	sdelay $0x1  }
0x102: {  	v3 =	vadd.s32 v1, v3  }
0x103: {  	[tilespmem:s7], [sflag:$0x1] =	stream.indirect_vreg.gather [hbm4b:s3+s2], $0x80, v4, vm0, $0xb8;
	[tilespmem:$0x1E400] =	vst v63  }
0x104: {  	_ = 	snop  }
0x105: {  	[tilespmem:s19], [sflag:$0x1] =	stream.indirect_vreg.gather [hbm4b:s5+s2], $0x80, v4, vm0, $0xb8;
	[tilespmem:$0x1E400] =	vst v63  }
0x106: {  	_ = 	snop  }
0x107: {  	[tilespmem:s8], [sflag:$0x1] =	stream.indirect_vreg.gather [hbm4b:s3+s2], $0x80, v3, vm0, $0xb8;
	[tilespmem:$0x1E400] =	vst v63  }
0x108: {  	_ = 	snop  }
0x109: {  	[tilespmem:s20], [sflag:$0x1] =	stream.indirect_vreg.gather [hbm4b:s5+s2], $0x80, v3, vm0, $0xb8;
	[tilespmem:$0x1E400] =	vst v63  }
0x10a: {  	v3 =	vld [tilespmem:$0xF0];
	_ =	sdelay $0x4  }
0x10b: {  	v63 =	vshll.u32 v3, $0x2  }
0x10c: {  	v3 =	vand.u32 $0x7, v3;
	v4 =	vand.u32 $0xFFFFFFE0, v63  }
0x10d: {  	v3 =	vor.u32 v3, v4  }
0x10e: {  	v4 =	vperm.xlane v3, v0;
	_ =	sdelay $0x1  }
0x10f: {  	v4 =	vadd.s32 v1, v4;
	_ =	sdelay $0x1  }
0x110: {  	v3 =	vperm.xlane v3, v2  }
0x111: {  	s30 =	simm.s32 $0x1B0;
	s12 =	simm.s32 $0xF400  }
0x112: {  	s6 =	simm.s32 $0xDC00;
	s28 =	simm.s32 $0x0;
	s16 =	simm.s32 $0x7400;
	v3 =	vadd.s32 v1, v3  }
0x113: {  	[tilespmem:s9], [sflag:$0x1] =	stream.indirect_vreg.gather [hbm4b:s3+s2], $0x80, v4, vm0, $0xb8;
	[tilespmem:$0x1E400] =	vst v63  }
0x114: {  	s0 =	simm.s32 $0xE400;
	s17 =	simm.s32 $0x8400;
	s23 =	simm.s32 $0xEC00  }
0x115: {  	[tilespmem:s21], [sflag:$0x1] =	stream.indirect_vreg.gather [hbm4b:s5+s2], $0x80, v4, vm0, $0xb8;
	[tilespmem:$0x1E400] =	vst v63  }
0x116: {  	s18 =	simm.s32 $0x9400;
	s7 =	simm.s32 $0x9C00;
	s19 =	simm.s32 $0xA400  }
0x117: {  	[tilespmem:s10], [sflag:$0x1] =	stream.indirect_vreg.gather [hbm4b:s3+s2], $0x80, v3, vm0, $0xb8;
	[tilespmem:$0x1E400] =	vst v63  }
0x118: {  	s8 =	simm.s32 $0xAC00;
	s20 =	simm.s32 $0xB400;
	s9 =	simm.s32 $0xBC00  }
0x119: {  	[tilespmem:s22], [sflag:$0x1] =	stream.indirect_vreg.gather [hbm4b:s5+s2], $0x80, v3, vm0, $0xb8;
	[tilespmem:$0x1E400] =	vst v63  }
0x11a: {  	s21 =	simm.s32 $0xC400;
	s10 =	simm.s32 $0xCC00;
	s22 =	simm.s32 $0xD400  }
.LBB2_2:
0x11b: {  	_ =	swait.ge [sflag:s25], $0x8000  }
0x11c: {  	s14 =	rddreg [dreg:$0x3]  }
0x11d: {  	[sflag:s25] =	ssyncset.done $0x0;
	s14 =	sadd.s32 s28, s14  }
0x11e: {  	s1 =	simm.s32 $0x16400;
	[sflag:s25] =	ssyncadd.s32 $0xFFFF8000;
	s31 =	sadd.s32 $0x2000, s14  }
0x11f: {  	[hbm4b:s31+s2] =	stream.linear.scatter [tilespmem:s1], [sflag:$0x6], $0x8000, $0x38;
	[tilespmem:$0x1E400] =	vst v63  }
0x120: {  	_ =	swait.ge [sflag:s13], $0x8000  }
0x121: {  	[sflag:s13] =	ssyncset.done $0x0  }
0x122: {  	[sflag:s13] =	ssyncadd.s32 $0xFFFF8000  }
0x123: {  	v3 =	vld [tilespmem:s30+$0xFFFFFF50];
	_ =	sdelay $0x4  }
0x124: {  	v4 =	vshll.u32 v3, $0x2  }
0x125: {  	v3 =	vand.u32 $0x7, v3;
	v4 =	vand.u32 $0xFFFFFFE0, v4  }
0x126: {  	v3 =	vor.u32 v3, v4  }
0x127: {  	v4 =	vperm.xlane v3, v0;
	_ =	sdelay $0x1  }
0x128: {  	v4 =	vadd.s32 v1, v4;
	_ =	sdelay $0x1  }
0x129: {  	v3 =	vperm.xlane v3, v2;
	_ =	sdelay $0x1  }
0x12a: {  	v3 =	vadd.s32 v1, v3  }
0x12b: {  	[tilespmem:s0], [sflag:$0x2] =	stream.indirect_vreg.gather [hbm4b:s3+s2], $0x80, v4, vm0, $0xb8;
	[tilespmem:$0x1E400] =	vst v63  }
0x12c: {  	_ = 	snop  }
0x12d: {  	[tilespmem:s23], [sflag:$0x2] =	stream.indirect_vreg.gather [hbm4b:s5+s2], $0x80, v4, vm0, $0xb8;
	[tilespmem:$0x1E400] =	vst v63  }
0x12e: {  	_ = 	snop  }
0x12f: {  	[tilespmem:s12], [sflag:$0x2] =	stream.indirect_vreg.gather [hbm4b:s3+s2], $0x80, v3, vm0, $0xb8;
	[tilespmem:$0x1E400] =	vst v63  }
0x130: {  	_ = 	snop  }
0x131: {  	[tilespmem:s29], [sflag:$0x2] =	stream.indirect_vreg.gather [hbm4b:s5+s2], $0x80, v3, vm0, $0xb8;
	[tilespmem:$0x1E400] =	vst v63  }
0x132: {  	v3 =	vld [tilespmem:s30+$0xFFFFFF60];
	_ =	sdelay $0x4  }
0x133: {  	v53 =	vshll.u32 v3, $0x2  }
0x134: {  	v3 =	vand.u32 $0x7, v3;
	v4 =	vand.u32 $0xFFFFFFE0, v53  }
0x135: {  	v3 =	vor.u32 v3, v4  }
0x136: {  	v4 =	vperm.xlane v3, v0;
	_ =	sdelay $0x1  }
0x137: {  	v4 =	vadd.s32 v1, v4;
	_ =	sdelay $0x1  }
0x138: {  	v3 =	vperm.xlane v3, v2;
	_ =	sdelay $0x1  }
0x139: {  	s4 =	simm.s32 $0x10400;
	v3 =	vadd.s32 v1, v3  }
0x13a: {  	[tilespmem:s4], [sflag:$0x2] =	stream.indirect_vreg.gather [hbm4b:s3+s2], $0x80, v4, vm0, $0xb8;
	[tilespmem:$0x1E400] =	vst v63  }
0x13b: {  	s4 =	simm.s32 $0x10C00  }
0x13c: {  	[tilespmem:s4], [sflag:$0x2] =	stream.indirect_vreg.gather [hbm4b:s5+s2], $0x80, v4, vm0, $0xb8;
	[tilespmem:$0x1E400] =	vst v63  }
0x13d: {  	s4 =	simm.s32 $0x11400  }
0x13e: {  	[tilespmem:s4], [sflag:$0x2] =	stream.indirect_vreg.gather [hbm4b:s3+s2], $0x80, v3, vm0, $0xb8;
	[tilespmem:$0x1E400] =	vst v63  }
0x13f: {  	s4 =	simm.s32 $0x11C00  }
0x140: {  	[tilespmem:s4], [sflag:$0x2] =	stream.indirect_vreg.gather [hbm4b:s5+s2], $0x80, v3, vm0, $0xb8;
	[tilespmem:$0x1E400] =	vst v63  }
0x141: {  	v3 =	vld [tilespmem:s30+$0xFFFFFF70];
	_ =	sdelay $0x4  }
0x142: {  	v54 =	vshll.u32 v3, $0x2  }
0x143: {  	v3 =	vand.u32 $0x7, v3;
	v4 =	vand.u32 $0xFFFFFFE0, v54  }
0x144: {  	v3 =	vor.u32 v3, v4  }
0x145: {  	v4 =	vperm.xlane v3, v0;
	_ =	sdelay $0x1  }
0x146: {  	v4 =	vadd.s32 v1, v4;
	_ =	sdelay $0x1  }
0x147: {  	v3 =	vperm.xlane v3, v2;
	_ =	sdelay $0x1  }
0x148: {  	s4 =	simm.s32 $0x12400;
	v3 =	vadd.s32 v1, v3  }
0x149: {  	[tilespmem:s4], [sflag:$0x2] =	stream.indirect_vreg.gather [hbm4b:s3+s2], $0x80, v4, vm0, $0xb8;
	[tilespmem:$0x1E400] =	vst v63  }
0x14a: {  	s4 =	simm.s32 $0x12C00  }
0x14b: {  	[tilespmem:s4], [sflag:$0x2] =	stream.indirect_vreg.gather [hbm4b:s5+s2], $0x80, v4, vm0, $0xb8;
	[tilespmem:$0x1E400] =	vst v63  }
0x14c: {  	s4 =	simm.s32 $0x13400  }
0x14d: {  	[tilespmem:s4], [sflag:$0x2] =	stream.indirect_vreg.gather [hbm4b:s3+s2], $0x80, v3, vm0, $0xb8;
	[tilespmem:$0x1E400] =	vst v63  }
0x14e: {  	s4 =	simm.s32 $0x13C00  }
0x14f: {  	[tilespmem:s4], [sflag:$0x2] =	stream.indirect_vreg.gather [hbm4b:s5+s2], $0x80, v3, vm0, $0xb8;
	[tilespmem:$0x1E400] =	vst v63  }
0x150: {  	v3 =	vld [tilespmem:s30+$0xFFFFFF80];
	_ =	sdelay $0x4  }
0x151: {  	v55 =	vshll.u32 v3, $0x2  }
0x152: {  	v3 =	vand.u32 $0x7, v3;
	v4 =	vand.u32 $0xFFFFFFE0, v55  }
0x153: {  	v3 =	vor.u32 v3, v4  }
0x154: {  	v4 =	vperm.xlane v3, v0;
	_ =	sdelay $0x1  }
0x155: {  	v4 =	vadd.s32 v1, v4;
	_ =	sdelay $0x1  }
0x156: {  	v3 =	vperm.xlane v3, v2;
	_ =	sdelay $0x1  }
0x157: {  	s4 =	simm.s32 $0x14400;
	v3 =	vadd.s32 v1, v3  }
0x158: {  	[tilespmem:s4], [sflag:$0x2] =	stream.indirect_vreg.gather [hbm4b:s3+s2], $0x80, v4, vm0, $0xb8;
	[tilespmem:$0x1E400] =	vst v63  }
0x159: {  	s4 =	simm.s32 $0x14C00  }
0x15a: {  	[tilespmem:s4], [sflag:$0x2] =	stream.indirect_vreg.gather [hbm4b:s5+s2], $0x80, v4, vm0, $0xb8;
	[tilespmem:$0x1E400] =	vst v63  }
0x15b: {  	s4 =	simm.s32 $0x15400  }
0x15c: {  	[tilespmem:s4], [sflag:$0x2] =	stream.indirect_vreg.gather [hbm4b:s3+s2], $0x80, v3, vm0, $0xb8;
	[tilespmem:$0x1E400] =	vst v63  }
0x15d: {  	s4 =	simm.s32 $0x15C00  }
0x15e: {  	[tilespmem:s4], [sflag:$0x2] =	stream.indirect_vreg.gather [hbm4b:s5+s2], $0x80, v3, vm0, $0xb8;
	[tilespmem:$0x1E400] =	vst v63  }
0x15f: {  	_ =	swait.ge [sflag:s15], $0x8000  }
0x160: {  	[sflag:s15] =	ssyncset.done $0x0  }
0x161: {  	s31 =	sadd.s32 $0x3000, s14;
	s29 =	simm.s32 $0x6400;
	[sflag:s15] =	ssyncadd.s32 $0xFFFF8000  }
0x162: {  	[hbm4b:s31+s2] =	stream.linear.scatter [tilespmem:s29], [sflag:$0x4], $0x8000, $0x38;
	[tilespmem:$0x1E400] =	vst v63  }
0x163: {  	_ =	swait.ge [sflag:s26], $0x8000  }
0x164: {  	[sflag:s26] =	ssyncset.done $0x0  }
0x165: {  	[sflag:s26] =	ssyncadd.s32 $0xFFFF8000  }
0x166: {  	v3 =	vld [tilespmem:s30+$0xFFFFFF90];
	_ =	sdelay $0x4  }
0x167: {  	v56 =	vshll.u32 v3, $0x2  }
0x168: {  	v3 =	vand.u32 $0x7, v3;
	v4 =	vand.u32 $0xFFFFFFE0, v56  }
0x169: {  	v3 =	vor.u32 v3, v4  }
0x16a: {  	v4 =	vperm.xlane v3, v0;
	_ =	sdelay $0x1  }
0x16b: {  	v4 =	vadd.s32 v1, v4;
	_ =	sdelay $0x1  }
0x16c: {  	v3 =	vperm.xlane v3, v2;
	_ =	sdelay $0x1  }
0x16d: {  	v3 =	vadd.s32 v1, v3  }
0x16e: {  	[tilespmem:s1], [sflag:$0x3] =	stream.indirect_vreg.gather [hbm4b:s3+s2], $0x80, v4, vm0, $0xb8;
	[tilespmem:$0x1E400] =	vst v63  }
0x16f: {  	s1 =	simm.s32 $0x16C00  }
0x170: {  	[tilespmem:s1], [sflag:$0x3] =	stream.indirect_vreg.gather [hbm4b:s5+s2], $0x80, v4, vm0, $0xb8;
	[tilespmem:$0x1E400] =	vst v63  }
0x171: {  	s1 =	simm.s32 $0x17400  }
0x172: {  	[tilespmem:s1], [sflag:$0x3] =	stream.indirect_vreg.gather [hbm4b:s3+s2], $0x80, v3, vm0, $0xb8;
	[tilespmem:$0x1E400] =	vst v63  }
0x173: {  	s1 =	simm.s32 $0x17C00  }
0x174: {  	[tilespmem:s1], [sflag:$0x3] =	stream.indirect_vreg.gather [hbm4b:s5+s2], $0x80, v3, vm0, $0xb8;
	[tilespmem:$0x1E400] =	vst v63  }
0x175: {  	v3 =	vld [tilespmem:s30+$0xFFFFFFA0];
	_ =	sdelay $0x4  }
0x176: {  	v57 =	vshll.u32 v3, $0x2  }
0x177: {  	v3 =	vand.u32 $0x7, v3;
	v4 =	vand.u32 $0xFFFFFFE0, v57  }
0x178: {  	v3 =	vor.u32 v3, v4  }
0x179: {  	v4 =	vperm.xlane v3, v0;
	_ =	sdelay $0x1  }
0x17a: {  	v4 =	vadd.s32 v1, v4;
	_ =	sdelay $0x1  }
0x17b: {  	v3 =	vperm.xlane v3, v2;
	_ =	sdelay $0x1  }
0x17c: {  	s1 =	simm.s32 $0x18400;
	v3 =	vadd.s32 v1, v3  }
0x17d: {  	[tilespmem:s1], [sflag:$0x3] =	stream.indirect_vreg.gather [hbm4b:s3+s2], $0x80, v4, vm0, $0xb8;
	[tilespmem:$0x1E400] =	vst v63  }
0x17e: {  	s1 =	simm.s32 $0x18C00  }
0x17f: {  	[tilespmem:s1], [sflag:$0x3] =	stream.indirect_vreg.gather [hbm4b:s5+s2], $0x80, v4, vm0, $0xb8;
	[tilespmem:$0x1E400] =	vst v63  }
0x180: {  	s1 =	simm.s32 $0x19400  }
0x181: {  	[tilespmem:s1], [sflag:$0x3] =	stream.indirect_vreg.gather [hbm4b:s3+s2], $0x80, v3, vm0, $0xb8;
	[tilespmem:$0x1E400] =	vst v63  }
0x182: {  	s1 =	simm.s32 $0x19C00  }
0x183: {  	[tilespmem:s1], [sflag:$0x3] =	stream.indirect_vreg.gather [hbm4b:s5+s2], $0x80, v3, vm0, $0xb8;
	[tilespmem:$0x1E400] =	vst v63  }
0x184: {  	v3 =	vld [tilespmem:s30+$0xFFFFFFB0];
	_ =	sdelay $0x4  }
0x185: {  	v58 =	vshll.u32 v3, $0x2  }
0x186: {  	v3 =	vand.u32 $0x7, v3;
	v4 =	vand.u32 $0xFFFFFFE0, v58  }
0x187: {  	v3 =	vor.u32 v3, v4  }
0x188: {  	v4 =	vperm.xlane v3, v0;
	_ =	sdelay $0x1  }
0x189: {  	v4 =	vadd.s32 v1, v4;
	_ =	sdelay $0x1  }
0x18a: {  	v3 =	vperm.xlane v3, v2;
	_ =	sdelay $0x1  }
0x18b: {  	s1 =	simm.s32 $0x1A400;
	v3 =	vadd.s32 v1, v3  }
0x18c: {  	[tilespmem:s1], [sflag:$0x3] =	stream.indirect_vreg.gather [hbm4b:s3+s2], $0x80, v4, vm0, $0xb8;
	[tilespmem:$0x1E400] =	vst v63  }
0x18d: {  	s1 =	simm.s32 $0x1AC00  }
0x18e: {  	[tilespmem:s1], [sflag:$0x3] =	stream.indirect_vreg.gather [hbm4b:s5+s2], $0x80, v4, vm0, $0xb8;
	[tilespmem:$0x1E400] =	vst v63  }
0x18f: {  	s1 =	simm.s32 $0x1B400  }
0x190: {  	[tilespmem:s1], [sflag:$0x3] =	stream.indirect_vreg.gather [hbm4b:s3+s2], $0x80, v3, vm0, $0xb8;
	[tilespmem:$0x1E400] =	vst v63  }
0x191: {  	s1 =	simm.s32 $0x1BC00  }
0x192: {  	[tilespmem:s1], [sflag:$0x3] =	stream.indirect_vreg.gather [hbm4b:s5+s2], $0x80, v3, vm0, $0xb8;
	[tilespmem:$0x1E400] =	vst v63  }
0x193: {  	v3 =	vld [tilespmem:s30+$0xFFFFFFC0];
	_ =	sdelay $0x4  }
0x194: {  	v59 =	vshll.u32 v3, $0x2  }
0x195: {  	v3 =	vand.u32 $0x7, v3;
	v4 =	vand.u32 $0xFFFFFFE0, v59  }
0x196: {  	v3 =	vor.u32 v3, v4  }
0x197: {  	v4 =	vperm.xlane v3, v0;
	_ =	sdelay $0x1  }
0x198: {  	v4 =	vadd.s32 v1, v4;
	_ =	sdelay $0x1  }
0x199: {  	v3 =	vperm.xlane v3, v2;
	_ =	sdelay $0x1  }
0x19a: {  	s1 =	simm.s32 $0x1C400;
	v3 =	vadd.s32 v1, v3  }
0x19b: {  	[tilespmem:s1], [sflag:$0x3] =	stream.indirect_vreg.gather [hbm4b:s3+s2], $0x80, v4, vm0, $0xb8;
	[tilespmem:$0x1E400] =	vst v63  }
0x19c: {  	s1 =	simm.s32 $0x1CC00  }
0x19d: {  	[tilespmem:s1], [sflag:$0x3] =	stream.indirect_vreg.gather [hbm4b:s5+s2], $0x80, v4, vm0, $0xb8;
	[tilespmem:$0x1E400] =	vst v63  }
0x19e: {  	s1 =	simm.s32 $0x1D400  }
0x19f: {  	[tilespmem:s1], [sflag:$0x3] =	stream.indirect_vreg.gather [hbm4b:s3+s2], $0x80, v3, vm0, $0xb8;
	[tilespmem:$0x1E400] =	vst v63  }
0x1a0: {  	s1 =	simm.s32 $0x1DC00  }
0x1a1: {  	[tilespmem:s1], [sflag:$0x3] =	stream.indirect_vreg.gather [hbm4b:s5+s2], $0x80, v3, vm0, $0xb8;
	[tilespmem:$0x1E400] =	vst v63  }
0x1a2: {  	_ =	swait.ge [sflag:s24], $0x8000  }
0x1a3: {  	[sflag:s24] =	ssyncset.done $0x0  }
0x1a4: {  	s14 =	sadd.s32 $0x4000, s14;
	[sflag:s24] =	ssyncadd.s32 $0xFFFF8000  }
0x1a5: {  	[hbm4b:s14+s2] =	stream.linear.scatter [tilespmem:s0], [sflag:$0x5], $0x8000, $0x38;
	[tilespmem:$0x1E400] =	vst v63  }
0x1a6: {  	_ =	swait.ge [sflag:s11], $0x8000  }
0x1a7: {  	[sflag:s11] =	ssyncset.done $0x0  }
0x1a8: {  	[sflag:s11] =	ssyncadd.s32 $0xFFFF8000  }
0x1a9: {  	v3 =	vld [tilespmem:s30+$0xFFFFFFD0];
	_ =	sdelay $0x4  }
0x1aa: {  	v60 =	vshll.u32 v3, $0x2  }
0x1ab: {  	v3 =	vand.u32 $0x7, v3;
	v4 =	vand.u32 $0xFFFFFFE0, v60  }
0x1ac: {  	v3 =	vor.u32 v3, v4  }
0x1ad: {  	v4 =	vperm.xlane v3, v0;
	_ =	sdelay $0x1  }
0x1ae: {  	v4 =	vadd.s32 v1, v4;
	_ =	sdelay $0x1  }
0x1af: {  	v3 =	vperm.xlane v3, v2;
	_ =	sdelay $0x1  }
0x1b0: {  	v3 =	vadd.s32 v1, v3  }
0x1b1: {  	[tilespmem:s29], [sflag:$0x1] =	stream.indirect_vreg.gather [hbm4b:s3+s2], $0x80, v4, vm0, $0xb8;
	[tilespmem:$0x1E400] =	vst v63  }
0x1b2: {  	s31 =	simm.s32 $0x6C00  }
0x1b3: {  	[tilespmem:s31], [sflag:$0x1] =	stream.indirect_vreg.gather [hbm4b:s5+s2], $0x80, v4, vm0, $0xb8;
	[tilespmem:$0x1E400] =	vst v63  }
0x1b4: {  	_ = 	snop  }
0x1b5: {  	[tilespmem:s16], [sflag:$0x1] =	stream.indirect_vreg.gather [hbm4b:s3+s2], $0x80, v3, vm0, $0xb8;
	[tilespmem:$0x1E400] =	vst v63  }
0x1b6: {  	s14 =	simm.s32 $0x7C00  }
0x1b7: {  	[tilespmem:s14], [sflag:$0x1] =	stream.indirect_vreg.gather [hbm4b:s5+s2], $0x80, v3, vm0, $0xb8;
	[tilespmem:$0x1E400] =	vst v63  }
0x1b8: {  	v3 =	vld [tilespmem:s30+$0xFFFFFFE0];
	_ =	sdelay $0x4  }
0x1b9: {  	v61 =	vshll.u32 v3, $0x2  }
0x1ba: {  	v3 =	vand.u32 $0x7, v3;
	v4 =	vand.u32 $0xFFFFFFE0, v61  }
0x1bb: {  	v3 =	vor.u32 v3, v4  }
0x1bc: {  	v4 =	vperm.xlane v3, v0;
	_ =	sdelay $0x1  }
0x1bd: {  	v4 =	vadd.s32 v1, v4;
	_ =	sdelay $0x1  }
0x1be: {  	v3 =	vperm.xlane v3, v2;
	_ =	sdelay $0x1  }
0x1bf: {  	v3 =	vadd.s32 v1, v3  }
0x1c0: {  	[tilespmem:s17], [sflag:$0x1] =	stream.indirect_vreg.gather [hbm4b:s3+s2], $0x80, v4, vm0, $0xb8;
	[tilespmem:$0x1E400] =	vst v63  }
0x1c1: {  	s14 =	simm.s32 $0x8C00  }
0x1c2: {  	[tilespmem:s14], [sflag:$0x1] =	stream.indirect_vreg.gather [hbm4b:s5+s2], $0x80, v4, vm0, $0xb8;
	[tilespmem:$0x1E400] =	vst v63  }
0x1c3: {  	_ = 	snop  }
0x1c4: {  	[tilespmem:s18], [sflag:$0x1] =	stream.indirect_vreg.gather [hbm4b:s3+s2], $0x80, v3, vm0, $0xb8;
	[tilespmem:$0x1E400] =	vst v63  }
0x1c5: {  	_ = 	snop  }
0x1c6: {  	[tilespmem:s7], [sflag:$0x1] =	stream.indirect_vreg.gather [hbm4b:s5+s2], $0x80, v3, vm0, $0xb8;
	[tilespmem:$0x1E400] =	vst v63  }
0x1c7: {  	v3 =	vld [tilespmem:s30+$0xFFFFFFF0];
	_ =	sdelay $0x4  }
0x1c8: {  	v62 =	vshll.u32 v3, $0x2  }
0x1c9: {  	v3 =	vand.u32 $0x7, v3;
	v4 =	vand.u32 $0xFFFFFFE0, v62  }
0x1ca: {  	v3 =	vor.u32 v3, v4  }
0x1cb: {  	v4 =	vperm.xlane v3, v0;
	_ =	sdelay $0x1  }
0x1cc: {  	v4 =	vadd.s32 v1, v4;
	_ =	sdelay $0x1  }
0x1cd: {  	v3 =	vperm.xlane v3, v2;
	_ =	sdelay $0x1  }
0x1ce: {  	v3 =	vadd.s32 v1, v3  }
0x1cf: {  	[tilespmem:s19], [sflag:$0x1] =	stream.indirect_vreg.gather [hbm4b:s3+s2], $0x80, v4, vm0, $0xb8;
	[tilespmem:$0x1E400] =	vst v63  }
0x1d0: {  	_ = 	snop  }
0x1d1: {  	[tilespmem:s8], [sflag:$0x1] =	stream.indirect_vreg.gather [hbm4b:s5+s2], $0x80, v4, vm0, $0xb8;
	[tilespmem:$0x1E400] =	vst v63  }
0x1d2: {  	_ = 	snop  }
0x1d3: {  	[tilespmem:s20], [sflag:$0x1] =	stream.indirect_vreg.gather [hbm4b:s3+s2], $0x80, v3, vm0, $0xb8;
	[tilespmem:$0x1E400] =	vst v63  }
0x1d4: {  	_ = 	snop  }
0x1d5: {  	[tilespmem:s9], [sflag:$0x1] =	stream.indirect_vreg.gather [hbm4b:s5+s2], $0x80, v3, vm0, $0xb8;
	[tilespmem:$0x1E400] =	vst v63  }
0x1d6: {  	v3 =	vld [tilespmem:s30+$0x0];
	_ =	sdelay $0x4  }
0x1d7: {  	v63 =	vshll.u32 v3, $0x2  }
0x1d8: {  	v3 =	vand.u32 $0x7, v3;
	v4 =	vand.u32 $0xFFFFFFE0, v63  }
0x1d9: {  	v3 =	vor.u32 v3, v4  }
0x1da: {  	v4 =	vperm.xlane v3, v0;
	_ =	sdelay $0x1  }
0x1db: {  	v4 =	vadd.s32 v1, v4;
	_ =	sdelay $0x2  }
0x1dc: {  	v3 =	vperm.xlane v3, v2;
	_ =	sdelay $0x1  }
0x1dd: {  	v3 =	vadd.s32 v1, v3;
	[tilespmem:s21], [sflag:$0x1] =	stream.indirect_vreg.gather [hbm4b:s3+s2], $0x80, v4, vm0, $0xb8;
	[tilespmem:$0x1E400] =	vst v63  }
0x1de: {  	p0 =	sne.s32 s28, $0x189000  }
0x1df: {  	[tilespmem:s10], [sflag:$0x1] =	stream.indirect_vreg.gather [hbm4b:s5+s2], $0x80, v4, vm0, $0xb8;
	[tilespmem:$0x1E400] =	vst v63  }
.Ltmp0:
0x1e0: {  	_ = 	snop;
	(pc) =	sbr.rel @p0 .LBB2_2-.Ltmp0, $4  }
0x1e1: {  	s28 =	sadd.s32 $0x3000, s28;
	s4 =	simm.s32 $0x16400  }
0x1e2: {  	[tilespmem:s22], [sflag:$0x1] =	stream.indirect_vreg.gather [hbm4b:s3+s2], $0x80, v3, vm0, $0xb8;
	[tilespmem:$0x1E400] =	vst v63  }
0x1e3: {  	s1 =	simm.s32 $0x6400;
	s29 =	simm.s32 $0xFC00;
	s30 =	sadd.s32 $0xC0, s30  }
0x1e4: {  	[tilespmem:s6], [sflag:$0x1] =	stream.indirect_vreg.gather [hbm4b:s5+s2], $0x80, v3, vm0, $0xb8;
	[tilespmem:$0x1E400] =	vst v63  }
0x1e5: {  	_ =	swait.ge [sflag:s25], $0x8000  }
0x1e6: {  	[sflag:s25] =	ssyncset.done $0x0  }
0x1e7: {  	s14 =	rddreg [dreg:$0x7];
	[sflag:s25] =	ssyncadd.s32 $0xFFFF8000  }
0x1e8: {  	[hbm4b:s14+s2] =	stream.linear.scatter [tilespmem:s4], [sflag:$0x6], $0x8000, $0x38;
	[tilespmem:$0x1E400] =	vst v63  }
0x1e9: {  	_ =	swait.ge [sflag:s15], $0x8000  }
0x1ea: {  	[sflag:s15] =	ssyncset.done $0x0  }
0x1eb: {  	s22 =	rddreg [dreg:$0x8];
	[sflag:s15] =	ssyncadd.s32 $0xFFFF8000  }
0x1ec: {  	[hbm4b:s22+s2] =	stream.linear.scatter [tilespmem:s1], [sflag:$0x4], $0x8000, $0x38;
	[tilespmem:$0x1E400] =	vst v63  }
0x1ed: {  	_ =	swait.ge [sflag:s13], $0x8000  }
0x1ee: {  	[sflag:s13] =	ssyncset.done $0x0  }
0x1ef: {  	[sflag:s13] =	ssyncadd.s32 $0xFFFF8000  }
0x1f0: {  	_ =	swait.ge [sflag:s26], $0x8000  }
0x1f1: {  	[sflag:s26] =	ssyncset.done $0x0  }
0x1f2: {  	[sflag:s26] =	ssyncadd.s32 $0xFFFF8000  }
0x1f3: {  	s28 =	simm.s32 $0x7400;
	s16 =	simm.s32 $0x7C00;
	_ =	swait.ge [sflag:s11], $0x8000  }
0x1f4: {  	s17 =	simm.s32 $0x8C00;
	s18 =	simm.s32 $0x9C00;
	s0 =	rddreg [dreg:$0xa]  }
0x1f5: {  	s7 =	simm.s32 $0xA400;
	s23 =	rddreg [dreg:$0x9];
	s0 =	sadd.s32 $0x1, s0  }
0x1f6: {  	s19 =	simm.s32 $0xAC00;
	s8 =	simm.s32 $0xB400;
	p0 =	sne.s32 s0, s23  }
.Ltmp1:
0x1f7: {  	s20 =	simm.s32 $0xBC00;
	s9 =	simm.s32 $0xC400;
	(pc) =	sbr.rel @p0 .LBB2_1-.Ltmp1, $4  }
0x1f8: {  	s21 =	simm.s32 $0xCC00;
	s10 =	simm.s32 $0xD400;
	s6 =	simm.s32 $0xEC00  }
0x1f9: {  	s12 =	simm.s32 $0xF400;
	s30 =	simm.s32 $0x10400;
	[sflag:s11] =	ssyncset.done $0x0  }
0x1fa: {  	s22 =	simm.s32 $0xDC00;
	s1 =	simm.s32 $0xE400;
	[sflag:s11] =	ssyncadd.s32 $0xFFFF8000  }
0x1fb: {  	[dreg:$0xa] =	wrdreg s0;
	s0 =	simm.s32 $0x8400;
	s23 =	simm.s32 $0x9400  }
0x1fc: {  	_ =	sfence.sel $0x180000  }
0x1fd: {  	[bflag:$0x0] =	sbarrier.arrive $0xFFFF  }
0x1fe: {  	_ =	strace $0x90000047  }
0x1ff: {  	s0 =	stileid.u32;
	[bflag:$0x2] =	sbarrier.arrive $0xFFFF  }
0x200: {  	p0 =	sne.s32 s0, $0x0;
	s0 =	rddreg [dreg:$0x2]  }
0x201: {  	s0 =	sadd.s32 @!p0 $0x100000, s0  }
0x202: {  	[sflag:s0] =	ssyncadd.tile.s32 @!p0 $0x1;
	_ =	shalt  }
.Lfunc_end2:
_tile_overlayer_lowered:
.L_overlay_start_2:
0x203: {  	(tag) =	ssettag $0x2  }
0x204: {  	s0 =	rddreg [dreg:$0x0];
	s2 =	stileid.u32  }
0x205: {  	s1 =	rddreg [dreg:$0x1];
	p0 =	sne.s32 s2, $0x0  }
0x206: {  	s3 =	rddreg [dreg:$0x2];
	[bflag:$0x3] =	sbarrier.arrive $0xFFFF;
	s2 =	simm.s32 @!p0 $0x1C07  }
0x207: {  	[timem:s3], [sflag:s2] =	dma.local @!p0 [hbm:s0], s1  }
0x208: {  	s0 =	simm.s32 @!p0 $0x7  }
0x209: {  	_ =	swait.ge @!p0 [sflag:s0], s1  }
0x20a: {  	s1 =	ssub.s32 @!p0 $0x0, s1;
	[sflag:s0] =	ssyncset.done @!p0 $0x0  }
0x20b: {  	[sflag:s0] =	ssyncadd.s32 @!p0 s1  }
0x20c: {  	[bflag:$0x3] =	sbarrier.arrive $0xFFFF  }
0x20d: {  	_ =	shalt  }

</sc_bundles>
